<compile_context>
chip_gen: v7x
topology: tpu7x:2x2x1
jax: 0.10.2.dev20260603
libtpu: 0.0.44.dev20260713+nightly
codegen_flags: <defaults>
</compile_context>

<pallas_src>
import functools

import jax
import jax.numpy as jnp
from jax import lax
from jax.experimental import pallas as pl
from jax.experimental.pallas import tpu as pltpu
from jax.experimental.pallas import tpu_sc as plsc

VOCAB = 1000000
DIM = 32
HALF = 16
NT = 5
NW_CTX = 10

NUM_CORES = 2
NUM_SUBCORES = 16
NUM_WORKERS = NUM_CORES * NUM_SUBCORES

BATCH = 16384
B_PER_W = BATCH // NUM_WORKERS
CHUNK = 64
NCHUNK = B_PER_W // CHUNK
G_CTX = CHUNK * NW_CTX // 128
G_TGT = 5
TS = CHUNK * NT // G_TGT

_mesh = plsc.VectorSubcoreMesh(core_axis_name="c", subcore_axis_name="s")


@functools.partial(
    pl.kernel,
    mesh=_mesh,
    compiler_params=pltpu.CompilerParams(
        needs_layout_passes=False, use_tc_tiling_on_sc=False),
    out_type=jax.ShapeDtypeStruct((BATCH * NT,), jnp.float32),
    scratch_types=[
        pltpu.VMEM((B_PER_W * NW_CTX,), jnp.int32),
        pltpu.VMEM((B_PER_W * NT,), jnp.int32),
        pltpu.VMEM((CHUNK * NW_CTX, DIM), jnp.float32),
        pltpu.VMEM((CHUNK * NW_CTX, DIM), jnp.float32),
        pltpu.VMEM((CHUNK * NT, DIM), jnp.float32),
        pltpu.VMEM((CHUNK * NT, DIM), jnp.float32),
        pltpu.VMEM((CHUNK * NT,), jnp.float32),
        pltpu.SemaphoreType.DMA,
        pltpu.SemaphoreType.DMA,
    ],
)
def _cbow_sc(ctx_idx, tgt_idx, ctx_table, tgt_table, out,
             cidx, tidx, crows_a, crows_b, trows_a, trows_b, outv,
             sem_a, sem_b):
    wid = lax.axis_index("s") * NUM_CORES + lax.axis_index("c")

    pltpu.sync_copy(ctx_idx.at[pl.ds(wid * B_PER_W * NW_CTX,
                                     B_PER_W * NW_CTX)], cidx)
    pltpu.sync_copy(tgt_idx.at[pl.ds(wid * B_PER_W * NT, B_PER_W * NT)], tidx)

    def c_slice(k, g):
        return cidx.at[pl.ds(k * CHUNK * NW_CTX + g * 128, 128)]

    def t_slice(k, g):
        return tidx.at[pl.ds(k * CHUNK * NT + g * TS, TS)]

    def gathers(k, crows, trows, sem):
        ops = []
        for g in range(G_CTX):
            ops.append(pltpu.make_async_copy(
                ctx_table.at[c_slice(k, g)],
                crows.at[pl.ds(g * 128, 128)], sem))
        for g in range(G_TGT):
            ops.append(pltpu.make_async_copy(
                tgt_table.at[t_slice(k, g)],
                trows.at[pl.ds(g * TS, TS)], sem))
        return ops

    def start_gathers(k, crows, trows, sem):
        for op in gathers(k, crows, trows, sem):
            op.start()

    def wait_gathers(k, crows, trows, sem):
        for op in gathers(k, crows, trows, sem):
            op.wait()

    start_gathers(0, crows_a, trows_a, sem_a)

    def chunk_body(k2, carry):
        bufs = ((crows_a, trows_a, sem_a), (crows_b, trows_b, sem_b))
        for half in range(2):
            k = k2 * 2 + half
            crows, trows, sem = bufs[half]
            ncr, ntr, nsem = bufs[1 - half]

            @pl.when(k + 1 < NCHUNK)
            def _():
                start_gathers(k + 1, ncr, ntr, nsem)
            wait_gathers(k, crows, trows, sem)
            compute_chunk(k, crows, trows)
        return carry

    def compute_chunk(k, crows, trows):

        last_lane = lax.iota(jnp.int32, HALF) == (HALF - 1)

        def elem(b, c2):
            r = b * NW_CTX
            s0 = crows[r, pl.ds(0, HALF)]
            s1 = crows[r, pl.ds(HALF, HALF)]
            for w in range(1, NW_CTX):
                s0 = s0 + crows[r + w, pl.ds(0, HALF)]
                s1 = s1 + crows[r + w, pl.ds(HALF, HALF)]
            t = b * NT
            for n in range(NT):
                q = (trows[t + n, pl.ds(0, HALF)] * s0
                     + trows[t + n, pl.ds(HALF, HALF)] * s1)
                c = plsc.cumsum(q)
                plsc.store_scatter(outv, [jnp.full((HALF,), t + n, jnp.int32)],
                                   c, mask=last_lane)
            return c2

        lax.fori_loop(0, CHUNK, elem, 0)
        pltpu.sync_copy(outv,
                        out.at[pl.ds(wid * (B_PER_W * NT) + k * CHUNK * NT,
                                     CHUNK * NT)])

    lax.fori_loop(0, NCHUNK // 2, chunk_body, 0)


def kernel(context, target, ctx_table, tgt_table):
    ctx_idx = context.astype(jnp.int32).reshape(-1)
    tgt_idx = target.astype(jnp.int32).reshape(-1)
    out = _cbow_sc(ctx_idx, tgt_idx, ctx_table, tgt_table)
    return out.reshape(BATCH, NT)

# --- scband reference (transcript-rebuilt; emitter-appended) ---
"""Pipeline reference for scband-cbow-model-ns-17892833755281 (READ-ONLY COPY).

The authoritative reference and input builder live on the scoring server;
editing this copy changes nothing except your own understanding.
"""

import jax, jax.numpy as jnp
import numpy as np

VOCAB = 1000000
DIM = 32
NUM_NS = 4
WINDOW = 5
BATCH = 16384


def setup_inputs(seed: int = 0) -> dict:
    key = jax.random.key(seed)
    k1, k2, k3, k4 = jax.random.split(key, 4)
    context = jax.random.randint(k1, (BATCH, WINDOW * 2), 0, VOCAB)
    target = jax.random.randint(k2, (BATCH, NUM_NS + 1), 0, VOCAB)
    # Keras Embedding default initializer: uniform(-0.05, 0.05)
    ctx_table = jax.random.uniform(k3, (VOCAB, DIM), dtype=jnp.float32, minval=-0.05, maxval=0.05)
    tgt_table = jax.random.uniform(k4, (VOCAB, DIM), dtype=jnp.float32, minval=-0.05, maxval=0.05)
    return {"context": context, "target": target, "ctx_table": ctx_table, "tgt_table": tgt_table}


def reference(context, target, ctx_table, tgt_table):
    # ce = embedding_layer(context): gather -> [B, 2*window, D]
    ce = jnp.take(ctx_table, context, axis=0)
    # s = reduce_sum(ce, 1, keepdims=True) -> [B, 1, D]
    s = jnp.sum(ce, axis=1, keepdims=True)
    # te = target_layer(target): gather -> [B, num_ns+1, D]
    te = jnp.take(tgt_table, target, axis=0)
    # Dot over embedding dim of te and s -> [B, num_ns+1, 1]
    dots = jnp.einsum("bnd,bkd->bnk", te, s)
    # Flatten -> [B, num_ns+1]
    return dots.reshape(dots.shape[0], -1)

if __name__ == "__main__":
    import jax
    _d = setup_inputs()
    print(jax.jit(kernel)(*tuple(_d.values())))

</pallas_src>

<mosaic_0001>
#map = affine_map<(d0, d1) -> (0)>
#map1 = affine_map<(d0, d1) -> (0, 0)>
module attributes {stable_mosaic.version = 14 : i64} {
  func.func @_cbow_sc(%arg0: i32, %arg1: i32, %arg2: memref<163840xi32, #tpu.memory_space<hbm>>, %arg3: memref<81920xi32, #tpu.memory_space<hbm>>, %arg4: memref<1000000x32xf32, #tpu.memory_space<hbm>>, %arg5: memref<1000000x32xf32, #tpu.memory_space<hbm>>, %arg6: memref<81920xf32, #tpu.memory_space<hbm>>, %arg7: memref<5120xi32, #tpu.memory_space<vmem>>, %arg8: memref<2560xi32, #tpu.memory_space<vmem>>, %arg9: memref<640x32xf32, #tpu.memory_space<vmem>>, %arg10: memref<640x32xf32, #tpu.memory_space<vmem>>, %arg11: memref<320x32xf32, #tpu.memory_space<vmem>>, %arg12: memref<320x32xf32, #tpu.memory_space<vmem>>, %arg13: memref<320xf32, #tpu.memory_space<vmem>>, %arg14: memref<!tpu.dma_semaphore, #tpu.memory_space<semaphore_mem>>, %arg15: memref<!tpu.dma_semaphore, #tpu.memory_space<semaphore_mem>>) attributes {dimension_semantics = [#tpu.dimension_semantics<core_parallel>, #tpu.dimension_semantics<subcore_parallel>], iteration_bounds = array<i64: 2, 16>, scalar_prefetch = 0 : i64, scratch_operands = 9 : i64, tpu.core_type = #tpu.core_type<sc_vector_subcore>, window_params = [{transform_indices = #map}, {transform_indices = #map}, {transform_indices = #map1}, {transform_indices = #map1}, {transform_indices = #map}]} {
    %mul3A = arith.constant 2 : i32
    %mul3A_0 = arith.muli %arg1, %mul3A : i32
    %add3A = arith.addi %mul3A_0, %arg0 : i32
    %mul3A_1 = arith.constant 512 : i32
    %mul3A_2 = arith.muli %add3A, %mul3A_1 : i32
    %mul3A_3 = arith.constant 10 : i32
    %mul3A_4 = arith.muli %mul3A_2, %mul3A_3 : i32
    "tpu.region"() ({
      %run_scoped3A = tpu.sem_alloc : memref<!tpu.dma_semaphore, #tpu.memory_space<semaphore_mem>>
      %dma_start3A_93 = tpu.memref_slice %arg2[%mul3A_4] : memref<163840xi32, #tpu.memory_space<hbm>> -> memref<5120xi32, #tpu.memory_space<hbm>>
      %dma_start3A_94 = tpu.memref_slice %arg2[%mul3A_4] : memref<163840xi32, #tpu.memory_space<hbm>> -> memref<5120xi32, #tpu.memory_space<hbm>>
      tpu.enqueue_dma source(%dma_start3A_94 : memref<5120xi32, #tpu.memory_space<hbm>>) target(%arg7 : memref<5120xi32, #tpu.memory_space<vmem>>) target_semaphore(%run_scoped3A : memref<!tpu.dma_semaphore, #tpu.memory_space<semaphore_mem>>)
      %dma_wait3A = tpu.memref_slice %arg2[%mul3A_4] : memref<163840xi32, #tpu.memory_space<hbm>> -> memref<5120xi32, #tpu.memory_space<hbm>>
      %dma_wait3A_95 = tpu.memref_slice %arg2[%mul3A_4] : memref<163840xi32, #tpu.memory_space<hbm>> -> memref<5120xi32, #tpu.memory_space<hbm>>
      tpu.wait_dma2 semaphore(%run_scoped3A : memref<!tpu.dma_semaphore, #tpu.memory_space<semaphore_mem>>) src(%dma_wait3A_95 : memref<5120xi32, #tpu.memory_space<hbm>>) dst(%arg7 : memref<5120xi32, #tpu.memory_space<vmem>>)
      tpu.yield
    }) : () -> ()
    %mul3A_5 = arith.constant 512 : i32
    %mul3A_6 = arith.muli %add3A, %mul3A_5 : i32
    %mul3A_7 = arith.constant 5 : i32
    %mul3A_8 = arith.muli %mul3A_6, %mul3A_7 : i32
    "tpu.region"() ({
      %run_scoped3A = tpu.sem_alloc : memref<!tpu.dma_semaphore, #tpu.memory_space<semaphore_mem>>
      %dma_start3A_93 = tpu.memref_slice %arg3[%mul3A_8] : memref<81920xi32, #tpu.memory_space<hbm>> -> memref<2560xi32, #tpu.memory_space<hbm>>
      %dma_start3A_94 = tpu.memref_slice %arg3[%mul3A_8] : memref<81920xi32, #tpu.memory_space<hbm>> -> memref<2560xi32, #tpu.memory_space<hbm>>
      tpu.enqueue_dma source(%dma_start3A_94 : memref<2560xi32, #tpu.memory_space<hbm>>) target(%arg8 : memref<2560xi32, #tpu.memory_space<vmem>>) target_semaphore(%run_scoped3A : memref<!tpu.dma_semaphore, #tpu.memory_space<semaphore_mem>>)
      %dma_wait3A = tpu.memref_slice %arg3[%mul3A_8] : memref<81920xi32, #tpu.memory_space<hbm>> -> memref<2560xi32, #tpu.memory_space<hbm>>
      %dma_wait3A_95 = tpu.memref_slice %arg3[%mul3A_8] : memref<81920xi32, #tpu.memory_space<hbm>> -> memref<2560xi32, #tpu.memory_space<hbm>>
      tpu.wait_dma2 semaphore(%run_scoped3A : memref<!tpu.dma_semaphore, #tpu.memory_space<semaphore_mem>>) src(%dma_wait3A_95 : memref<2560xi32, #tpu.memory_space<hbm>>) dst(%arg8 : memref<2560xi32, #tpu.memory_space<vmem>>)
      tpu.yield
    }) : () -> ()
    %dma_start3A = arith.constant 0 : i32
    %dma_start3A_9 = arith.constant 0 : i32
    %dma_start3A_10 = tpu.memref_slice %arg9[%dma_start3A, %dma_start3A_9] : memref<640x32xf32, #tpu.memory_space<vmem>> -> memref<128x32xf32, #tpu.memory_space<vmem>>
    %dma_start3A_11 = arith.constant 0 : i32
    %dma_start3A_12 = tpu.memref_slice %arg7[%dma_start3A_11] : memref<5120xi32, #tpu.memory_space<vmem>> -> memref<128xi32, #tpu.memory_space<vmem>>
    %dma_start3A_13 = arith.constant 0 : i32
    %dma_start3A_14 = arith.constant 0 : i32
    %dma_start3A_15 = tpu.memref_slice %arg4[%dma_start3A_13, %dma_start3A_14] : memref<1000000x32xf32, #tpu.memory_space<hbm>> -> memref<1000000x32xf32, #tpu.memory_space<hbm>>
    tpu.enqueue_indirect_dma source(%dma_start3A_15 : memref<1000000x32xf32, #tpu.memory_space<hbm>>) target(%dma_start3A_10 : memref<128x32xf32, #tpu.memory_space<vmem>>) offsets(%dma_start3A_12 : memref<128xi32, #tpu.memory_space<vmem>>) semaphore(%arg14 : memref<!tpu.dma_semaphore, #tpu.memory_space<semaphore_mem>>)
    %dma_start3A_16 = arith.constant 128 : i32
    %dma_start3A_17 = arith.constant 0 : i32
    %dma_start3A_18 = tpu.memref_slice %arg9[%dma_start3A_16, %dma_start3A_17] : memref<640x32xf32, #tpu.memory_space<vmem>> -> memref<128x32xf32, #tpu.memory_space<vmem>>
    %dma_start3A_19 = arith.constant 128 : i32
    %dma_start3A_20 = tpu.memref_slice %arg7[%dma_start3A_19] : memref<5120xi32, #tpu.memory_space<vmem>> -> memref<128xi32, #tpu.memory_space<vmem>>
    %dma_start3A_21 = arith.constant 0 : i32
    %dma_start3A_22 = arith.constant 0 : i32
    %dma_start3A_23 = tpu.memref_slice %arg4[%dma_start3A_21, %dma_start3A_22] : memref<1000000x32xf32, #tpu.memory_space<hbm>> -> memref<1000000x32xf32, #tpu.memory_space<hbm>>
    tpu.enqueue_indirect_dma source(%dma_start3A_23 : memref<1000000x32xf32, #tpu.memory_space<hbm>>) target(%dma_start3A_18 : memref<128x32xf32, #tpu.memory_space<vmem>>) offsets(%dma_start3A_20 : memref<128xi32, #tpu.memory_space<vmem>>) semaphore(%arg14 : memref<!tpu.dma_semaphore, #tpu.memory_space<semaphore_mem>>)
    %dma_start3A_24 = arith.constant 256 : i32
    %dma_start3A_25 = arith.constant 0 : i32
    %dma_start3A_26 = tpu.memref_slice %arg9[%dma_start3A_24, %dma_start3A_25] : memref<640x32xf32, #tpu.memory_space<vmem>> -> memref<128x32xf32, #tpu.memory_space<vmem>>
    %dma_start3A_27 = arith.constant 256 : i32
    %dma_start3A_28 = tpu.memref_slice %arg7[%dma_start3A_27] : memref<5120xi32, #tpu.memory_space<vmem>> -> memref<128xi32, #tpu.memory_space<vmem>>
    %dma_start3A_29 = arith.constant 0 : i32
    %dma_start3A_30 = arith.constant 0 : i32
    %dma_start3A_31 = tpu.memref_slice %arg4[%dma_start3A_29, %dma_start3A_30] : memref<1000000x32xf32, #tpu.memory_space<hbm>> -> memref<1000000x32xf32, #tpu.memory_space<hbm>>
    tpu.enqueue_indirect_dma source(%dma_start3A_31 : memref<1000000x32xf32, #tpu.memory_space<hbm>>) target(%dma_start3A_26 : memref<128x32xf32, #tpu.memory_space<vmem>>) offsets(%dma_start3A_28 : memref<128xi32, #tpu.memory_space<vmem>>) semaphore(%arg14 : memref<!tpu.dma_semaphore, #tpu.memory_space<semaphore_mem>>)
    %dma_start3A_32 = arith.constant 384 : i32
    %dma_start3A_33 = arith.constant 0 : i32
    %dma_start3A_34 = tpu.memref_slice %arg9[%dma_start3A_32, %dma_start3A_33] : memref<640x32xf32, #tpu.memory_space<vmem>> -> memref<128x32xf32, #tpu.memory_space<vmem>>
    %dma_start3A_35 = arith.constant 384 : i32
    %dma_start3A_36 = tpu.memref_slice %arg7[%dma_start3A_35] : memref<5120xi32, #tpu.memory_space<vmem>> -> memref<128xi32, #tpu.memory_space<vmem>>
    %dma_start3A_37 = arith.constant 0 : i32
    %dma_start3A_38 = arith.constant 0 : i32
    %dma_start3A_39 = tpu.memref_slice %arg4[%dma_start3A_37, %dma_start3A_38] : memref<1000000x32xf32, #tpu.memory_space<hbm>> -> memref<1000000x32xf32, #tpu.memory_space<hbm>>
    tpu.enqueue_indirect_dma source(%dma_start3A_39 : memref<1000000x32xf32, #tpu.memory_space<hbm>>) target(%dma_start3A_34 : memref<128x32xf32, #tpu.memory_space<vmem>>) offsets(%dma_start3A_36 : memref<128xi32, #tpu.memory_space<vmem>>) semaphore(%arg14 : memref<!tpu.dma_semaphore, #tpu.memory_space<semaphore_mem>>)
    %dma_start3A_40 = arith.constant 512 : i32
    %dma_start3A_41 = arith.constant 0 : i32
    %dma_start3A_42 = tpu.memref_slice %arg9[%dma_start3A_40, %dma_start3A_41] : memref<640x32xf32, #tpu.memory_space<vmem>> -> memref<128x32xf32, #tpu.memory_space<vmem>>
    %dma_start3A_43 = arith.constant 512 : i32
    %dma_start3A_44 = tpu.memref_slice %arg7[%dma_start3A_43] : memref<5120xi32, #tpu.memory_space<vmem>> -> memref<128xi32, #tpu.memory_space<vmem>>
    %dma_start3A_45 = arith.constant 0 : i32
    %dma_start3A_46 = arith.constant 0 : i32
    %dma_start3A_47 = tpu.memref_slice %arg4[%dma_start3A_45, %dma_start3A_46] : memref<1000000x32xf32, #tpu.memory_space<hbm>> -> memref<1000000x32xf32, #tpu.memory_space<hbm>>
    tpu.enqueue_indirect_dma source(%dma_start3A_47 : memref<1000000x32xf32, #tpu.memory_space<hbm>>) target(%dma_start3A_42 : memref<128x32xf32, #tpu.memory_space<vmem>>) offsets(%dma_start3A_44 : memref<128xi32, #tpu.memory_space<vmem>>) semaphore(%arg14 : memref<!tpu.dma_semaphore, #tpu.memory_space<semaphore_mem>>)
    %dma_start3A_48 = arith.constant 0 : i32
    %dma_start3A_49 = arith.constant 0 : i32
    %dma_start3A_50 = tpu.memref_slice %arg11[%dma_start3A_48, %dma_start3A_49] : memref<320x32xf32, #tpu.memory_space<vmem>> -> memref<64x32xf32, #tpu.memory_space<vmem>>
    %dma_start3A_51 = arith.constant 0 : i32
    %dma_start3A_52 = tpu.memref_slice %arg8[%dma_start3A_51] : memref<2560xi32, #tpu.memory_space<vmem>> -> memref<64xi32, #tpu.memory_space<vmem>>
    %dma_start3A_53 = arith.constant 0 : i32
    %dma_start3A_54 = arith.constant 0 : i32
    %dma_start3A_55 = tpu.memref_slice %arg5[%dma_start3A_53, %dma_start3A_54] : memref<1000000x32xf32, #tpu.memory_space<hbm>> -> memref<1000000x32xf32, #tpu.memory_space<hbm>>
    tpu.enqueue_indirect_dma source(%dma_start3A_55 : memref<1000000x32xf32, #tpu.memory_space<hbm>>) target(%dma_start3A_50 : memref<64x32xf32, #tpu.memory_space<vmem>>) offsets(%dma_start3A_52 : memref<64xi32, #tpu.memory_space<vmem>>) semaphore(%arg14 : memref<!tpu.dma_semaphore, #tpu.memory_space<semaphore_mem>>)
    %dma_start3A_56 = arith.constant 64 : i32
    %dma_start3A_57 = arith.constant 0 : i32
    %dma_start3A_58 = tpu.memref_slice %arg11[%dma_start3A_56, %dma_start3A_57] : memref<320x32xf32, #tpu.memory_space<vmem>> -> memref<64x32xf32, #tpu.memory_space<vmem>>
    %dma_start3A_59 = arith.constant 64 : i32
    %dma_start3A_60 = tpu.memref_slice %arg8[%dma_start3A_59] : memref<2560xi32, #tpu.memory_space<vmem>> -> memref<64xi32, #tpu.memory_space<vmem>>
    %dma_start3A_61 = arith.constant 0 : i32
    %dma_start3A_62 = arith.constant 0 : i32
    %dma_start3A_63 = tpu.memref_slice %arg5[%dma_start3A_61, %dma_start3A_62] : memref<1000000x32xf32, #tpu.memory_space<hbm>> -> memref<1000000x32xf32, #tpu.memory_space<hbm>>
    tpu.enqueue_indirect_dma source(%dma_start3A_63 : memref<1000000x32xf32, #tpu.memory_space<hbm>>) target(%dma_start3A_58 : memref<64x32xf32, #tpu.memory_space<vmem>>) offsets(%dma_start3A_60 : memref<64xi32, #tpu.memory_space<vmem>>) semaphore(%arg14 : memref<!tpu.dma_semaphore, #tpu.memory_space<semaphore_mem>>)
    %dma_start3A_64 = arith.constant 128 : i32
    %dma_start3A_65 = arith.constant 0 : i32
    %dma_start3A_66 = tpu.memref_slice %arg11[%dma_start3A_64, %dma_start3A_65] : memref<320x32xf32, #tpu.memory_space<vmem>> -> memref<64x32xf32, #tpu.memory_space<vmem>>
    %dma_start3A_67 = arith.constant 128 : i32
    %dma_start3A_68 = tpu.memref_slice %arg8[%dma_start3A_67] : memref<2560xi32, #tpu.memory_space<vmem>> -> memref<64xi32, #tpu.memory_space<vmem>>
    %dma_start3A_69 = arith.constant 0 : i32
    %dma_start3A_70 = arith.constant 0 : i32
    %dma_start3A_71 = tpu.memref_slice %arg5[%dma_start3A_69, %dma_start3A_70] : memref<1000000x32xf32, #tpu.memory_space<hbm>> -> memref<1000000x32xf32, #tpu.memory_space<hbm>>
    tpu.enqueue_indirect_dma source(%dma_start3A_71 : memref<1000000x32xf32, #tpu.memory_space<hbm>>) target(%dma_start3A_66 : memref<64x32xf32, #tpu.memory_space<vmem>>) offsets(%dma_start3A_68 : memref<64xi32, #tpu.memory_space<vmem>>) semaphore(%arg14 : memref<!tpu.dma_semaphore, #tpu.memory_space<semaphore_mem>>)
    %dma_start3A_72 = arith.constant 192 : i32
    %dma_start3A_73 = arith.constant 0 : i32
    %dma_start3A_74 = tpu.memref_slice %arg11[%dma_start3A_72, %dma_start3A_73] : memref<320x32xf32, #tpu.memory_space<vmem>> -> memref<64x32xf32, #tpu.memory_space<vmem>>
    %dma_start3A_75 = arith.constant 192 : i32
    %dma_start3A_76 = tpu.memref_slice %arg8[%dma_start3A_75] : memref<2560xi32, #tpu.memory_space<vmem>> -> memref<64xi32, #tpu.memory_space<vmem>>
    %dma_start3A_77 = arith.constant 0 : i32
    %dma_start3A_78 = arith.constant 0 : i32
    %dma_start3A_79 = tpu.memref_slice %arg5[%dma_start3A_77, %dma_start3A_78] : memref<1000000x32xf32, #tpu.memory_space<hbm>> -> memref<1000000x32xf32, #tpu.memory_space<hbm>>
    tpu.enqueue_indirect_dma source(%dma_start3A_79 : memref<1000000x32xf32, #tpu.memory_space<hbm>>) target(%dma_start3A_74 : memref<64x32xf32, #tpu.memory_space<vmem>>) offsets(%dma_start3A_76 : memref<64xi32, #tpu.memory_space<vmem>>) semaphore(%arg14 : memref<!tpu.dma_semaphore, #tpu.memory_space<semaphore_mem>>)
    %dma_start3A_80 = arith.constant 256 : i32
    %dma_start3A_81 = arith.constant 0 : i32
    %dma_start3A_82 = tpu.memref_slice %arg11[%dma_start3A_80, %dma_start3A_81] : memref<320x32xf32, #tpu.memory_space<vmem>> -> memref<64x32xf32, #tpu.memory_space<vmem>>
    %dma_start3A_83 = arith.constant 256 : i32
    %dma_start3A_84 = tpu.memref_slice %arg8[%dma_start3A_83] : memref<2560xi32, #tpu.memory_space<vmem>> -> memref<64xi32, #tpu.memory_space<vmem>>
    %dma_start3A_85 = arith.constant 0 : i32
    %dma_start3A_86 = arith.constant 0 : i32
    %dma_start3A_87 = tpu.memref_slice %arg5[%dma_start3A_85, %dma_start3A_86] : memref<1000000x32xf32, #tpu.memory_space<hbm>> -> memref<1000000x32xf32, #tpu.memory_space<hbm>>
    tpu.enqueue_indirect_dma source(%dma_start3A_87 : memref<1000000x32xf32, #tpu.memory_space<hbm>>) target(%dma_start3A_82 : memref<64x32xf32, #tpu.memory_space<vmem>>) offsets(%dma_start3A_84 : memref<64xi32, #tpu.memory_space<vmem>>) semaphore(%arg14 : memref<!tpu.dma_semaphore, #tpu.memory_space<semaphore_mem>>)
    %scan3A = arith.constant 0 : i32
    %scan3A_88 = arith.constant 0 : i32
    %scan3A_89 = arith.constant 4 : i32
    %scan3A_90 = arith.addi %scan3A_88, %scan3A_89 : i32
    %scan3A_91 = arith.constant 1 : i32
    scf.for %scan3A_93 = %scan3A_88 to %scan3A_90 step %scan3A_91  : i32 {
      %mul3A_94 = arith.constant 2 : i32
      %mul3A_95 = arith.muli %scan3A_93, %mul3A_94 : i32
      %add3A_96 = arith.constant 0 : i32
      %add3A_97 = arith.addi %mul3A_95, %add3A_96 : i32
      %add3A_98 = arith.constant 1 : i32
      %add3A_99 = arith.addi %add3A_97, %add3A_98 : i32
      %lt3A = arith.constant 8 : i32
      %lt3A_100 = arith.cmpi slt, %add3A_99, %lt3A : i32
      %convert_element_type3A = arith.extui %lt3A_100 : i1 to i32
      %cond3A = arith.constant 0 : i32
      %cond3A_101 = arith.cmpi ne, %convert_element_type3A, %cond3A : i32
      scf.if %cond3A_101 {
        %add3A_404 = arith.constant 1 : i32
        %add3A_405 = arith.addi %add3A_97, %add3A_404 : i32
        %mul3A_406 = arith.constant 64 : i32
        %mul3A_407 = arith.muli %add3A_405, %mul3A_406 : i32
        %mul3A_408 = arith.constant 10 : i32
        %mul3A_409 = arith.muli %mul3A_407, %mul3A_408 : i32
        %add3A_410 = arith.constant 0 : i32
        %add3A_411 = arith.addi %mul3A_409, %add3A_410 : i32
        %mul3A_412 = arith.constant 64 : i32
        %mul3A_413 = arith.muli %add3A_405, %mul3A_412 : i32
        %mul3A_414 = arith.constant 10 : i32
        %mul3A_415 = arith.muli %mul3A_413, %mul3A_414 : i32
        %add3A_416 = arith.constant 128 : i32
        %add3A_417 = arith.addi %mul3A_415, %add3A_416 : i32
        %mul3A_418 = arith.constant 64 : i32
        %mul3A_419 = arith.muli %add3A_405, %mul3A_418 : i32
        %mul3A_420 = arith.constant 10 : i32
        %mul3A_421 = arith.muli %mul3A_419, %mul3A_420 : i32
        %add3A_422 = arith.constant 256 : i32
        %add3A_423 = arith.addi %mul3A_421, %add3A_422 : i32
        %mul3A_424 = arith.constant 64 : i32
        %mul3A_425 = arith.muli %add3A_405, %mul3A_424 : i32
        %mul3A_426 = arith.constant 10 : i32
        %mul3A_427 = arith.muli %mul3A_425, %mul3A_426 : i32
        %add3A_428 = arith.constant 384 : i32
        %add3A_429 = arith.addi %mul3A_427, %add3A_428 : i32
        %mul3A_430 = arith.constant 64 : i32
        %mul3A_431 = arith.muli %add3A_405, %mul3A_430 : i32
        %mul3A_432 = arith.constant 10 : i32
        %mul3A_433 = arith.muli %mul3A_431, %mul3A_432 : i32
        %add3A_434 = arith.constant 512 : i32
        %add3A_435 = arith.addi %mul3A_433, %add3A_434 : i32
        %mul3A_436 = arith.constant 64 : i32
        %mul3A_437 = arith.muli %add3A_405, %mul3A_436 : i32
        %mul3A_438 = arith.constant 5 : i32
        %mul3A_439 = arith.muli %mul3A_437, %mul3A_438 : i32
        %add3A_440 = arith.constant 0 : i32
        %add3A_441 = arith.addi %mul3A_439, %add3A_440 : i32
        %mul3A_442 = arith.constant 64 : i32
        %mul3A_443 = arith.muli %add3A_405, %mul3A_442 : i32
        %mul3A_444 = arith.constant 5 : i32
        %mul3A_445 = arith.muli %mul3A_443, %mul3A_444 : i32
        %add3A_446 = arith.constant 64 : i32
        %add3A_447 = arith.addi %mul3A_445, %add3A_446 : i32
        %mul3A_448 = arith.constant 64 : i32
        %mul3A_449 = arith.muli %add3A_405, %mul3A_448 : i32
        %mul3A_450 = arith.constant 5 : i32
        %mul3A_451 = arith.muli %mul3A_449, %mul3A_450 : i32
        %add3A_452 = arith.constant 128 : i32
        %add3A_453 = arith.addi %mul3A_451, %add3A_452 : i32
        %mul3A_454 = arith.constant 64 : i32
        %mul3A_455 = arith.muli %add3A_405, %mul3A_454 : i32
        %mul3A_456 = arith.constant 5 : i32
        %mul3A_457 = arith.muli %mul3A_455, %mul3A_456 : i32
        %add3A_458 = arith.constant 192 : i32
        %add3A_459 = arith.addi %mul3A_457, %add3A_458 : i32
        %mul3A_460 = arith.constant 64 : i32
        %mul3A_461 = arith.muli %add3A_405, %mul3A_460 : i32
        %mul3A_462 = arith.constant 5 : i32
        %mul3A_463 = arith.muli %mul3A_461, %mul3A_462 : i32
        %add3A_464 = arith.constant 256 : i32
        %add3A_465 = arith.addi %mul3A_463, %add3A_464 : i32
        %dma_start3A_466 = arith.constant 0 : i32
        %dma_start3A_467 = arith.constant 0 : i32
        %dma_start3A_468 = tpu.memref_slice %arg10[%dma_start3A_466, %dma_start3A_467] : memref<640x32xf32, #tpu.memory_space<vmem>> -> memref<128x32xf32, #tpu.memory_space<vmem>>
        %dma_start3A_469 = tpu.memref_slice %arg7[%add3A_411] : memref<5120xi32, #tpu.memory_space<vmem>> -> memref<128xi32, #tpu.memory_space<vmem>>
        %dma_start3A_470 = arith.constant 0 : i32
        %dma_start3A_471 = arith.constant 0 : i32
        %dma_start3A_472 = tpu.memref_slice %arg4[%dma_start3A_470, %dma_start3A_471] : memref<1000000x32xf32, #tpu.memory_space<hbm>> -> memref<1000000x32xf32, #tpu.memory_space<hbm>>
        tpu.enqueue_indirect_dma source(%dma_start3A_472 : memref<1000000x32xf32, #tpu.memory_space<hbm>>) target(%dma_start3A_468 : memref<128x32xf32, #tpu.memory_space<vmem>>) offsets(%dma_start3A_469 : memref<128xi32, #tpu.memory_space<vmem>>) semaphore(%arg15 : memref<!tpu.dma_semaphore, #tpu.memory_space<semaphore_mem>>)
        %dma_start3A_473 = arith.constant 128 : i32
        %dma_start3A_474 = arith.constant 0 : i32
        %dma_start3A_475 = tpu.memref_slice %arg10[%dma_start3A_473, %dma_start3A_474] : memref<640x32xf32, #tpu.memory_space<vmem>> -> memref<128x32xf32, #tpu.memory_space<vmem>>
        %dma_start3A_476 = tpu.memref_slice %arg7[%add3A_417] : memref<5120xi32, #tpu.memory_space<vmem>> -> memref<128xi32, #tpu.memory_space<vmem>>
        %dma_start3A_477 = arith.constant 0 : i32
        %dma_start3A_478 = arith.constant 0 : i32
        %dma_start3A_479 = tpu.memref_slice %arg4[%dma_start3A_477, %dma_start3A_478] : memref<1000000x32xf32, #tpu.memory_space<hbm>> -> memref<1000000x32xf32, #tpu.memory_space<hbm>>
        tpu.enqueue_indirect_dma source(%dma_start3A_479 : memref<1000000x32xf32, #tpu.memory_space<hbm>>) target(%dma_start3A_475 : memref<128x32xf32, #tpu.memory_space<vmem>>) offsets(%dma_start3A_476 : memref<128xi32, #tpu.memory_space<vmem>>) semaphore(%arg15 : memref<!tpu.dma_semaphore, #tpu.memory_space<semaphore_mem>>)
        %dma_start3A_480 = arith.constant 256 : i32
        %dma_start3A_481 = arith.constant 0 : i32
        %dma_start3A_482 = tpu.memref_slice %arg10[%dma_start3A_480, %dma_start3A_481] : memref<640x32xf32, #tpu.memory_space<vmem>> -> memref<128x32xf32, #tpu.memory_space<vmem>>
        %dma_start3A_483 = tpu.memref_slice %arg7[%add3A_423] : memref<5120xi32, #tpu.memory_space<vmem>> -> memref<128xi32, #tpu.memory_space<vmem>>
        %dma_start3A_484 = arith.constant 0 : i32
        %dma_start3A_485 = arith.constant 0 : i32
        %dma_start3A_486 = tpu.memref_slice %arg4[%dma_start3A_484, %dma_start3A_485] : memref<1000000x32xf32, #tpu.memory_space<hbm>> -> memref<1000000x32xf32, #tpu.memory_space<hbm>>
        tpu.enqueue_indirect_dma source(%dma_start3A_486 : memref<1000000x32xf32, #tpu.memory_space<hbm>>) target(%dma_start3A_482 : memref<128x32xf32, #tpu.memory_space<vmem>>) offsets(%dma_start3A_483 : memref<128xi32, #tpu.memory_space<vmem>>) semaphore(%arg15 : memref<!tpu.dma_semaphore, #tpu.memory_space<semaphore_mem>>)
        %dma_start3A_487 = arith.constant 384 : i32
        %dma_start3A_488 = arith.constant 0 : i32
        %dma_start3A_489 = tpu.memref_slice %arg10[%dma_start3A_487, %dma_start3A_488] : memref<640x32xf32, #tpu.memory_space<vmem>> -> memref<128x32xf32, #tpu.memory_space<vmem>>
        %dma_start3A_490 = tpu.memref_slice %arg7[%add3A_429] : memref<5120xi32, #tpu.memory_space<vmem>> -> memref<128xi32, #tpu.memory_space<vmem>>
        %dma_start3A_491 = arith.constant 0 : i32
        %dma_start3A_492 = arith.constant 0 : i32
        %dma_start3A_493 = tpu.memref_slice %arg4[%dma_start3A_491, %dma_start3A_492] : memref<1000000x32xf32, #tpu.memory_space<hbm>> -> memref<1000000x32xf32, #tpu.memory_space<hbm>>
        tpu.enqueue_indirect_dma source(%dma_start3A_493 : memref<1000000x32xf32, #tpu.memory_space<hbm>>) target(%dma_start3A_489 : memref<128x32xf32, #tpu.memory_space<vmem>>) offsets(%dma_start3A_490 : memref<128xi32, #tpu.memory_space<vmem>>) semaphore(%arg15 : memref<!tpu.dma_semaphore, #tpu.memory_space<semaphore_mem>>)
        %dma_start3A_494 = arith.constant 512 : i32
        %dma_start3A_495 = arith.constant 0 : i32
        %dma_start3A_496 = tpu.memref_slice %arg10[%dma_start3A_494, %dma_start3A_495] : memref<640x32xf32, #tpu.memory_space<vmem>> -> memref<128x32xf32, #tpu.memory_space<vmem>>
        %dma_start3A_497 = tpu.memref_slice %arg7[%add3A_435] : memref<5120xi32, #tpu.memory_space<vmem>> -> memref<128xi32, #tpu.memory_space<vmem>>
        %dma_start3A_498 = arith.constant 0 : i32
        %dma_start3A_499 = arith.constant 0 : i32
        %dma_start3A_500 = tpu.memref_slice %arg4[%dma_start3A_498, %dma_start3A_499] : memref<1000000x32xf32, #tpu.memory_space<hbm>> -> memref<1000000x32xf32, #tpu.memory_space<hbm>>
        tpu.enqueue_indirect_dma source(%dma_start3A_500 : memref<1000000x32xf32, #tpu.memory_space<hbm>>) target(%dma_start3A_496 : memref<128x32xf32, #tpu.memory_space<vmem>>) offsets(%dma_start3A_497 : memref<128xi32, #tpu.memory_space<vmem>>) semaphore(%arg15 : memref<!tpu.dma_semaphore, #tpu.memory_space<semaphore_mem>>)
        %dma_start3A_501 = arith.constant 0 : i32
        %dma_start3A_502 = arith.constant 0 : i32
        %dma_start3A_503 = tpu.memref_slice %arg12[%dma_start3A_501, %dma_start3A_502] : memref<320x32xf32, #tpu.memory_space<vmem>> -> memref<64x32xf32, #tpu.memory_space<vmem>>
        %dma_start3A_504 = tpu.memref_slice %arg8[%add3A_441] : memref<2560xi32, #tpu.memory_space<vmem>> -> memref<64xi32, #tpu.memory_space<vmem>>
        %dma_start3A_505 = arith.constant 0 : i32
        %dma_start3A_506 = arith.constant 0 : i32
        %dma_start3A_507 = tpu.memref_slice %arg5[%dma_start3A_505, %dma_start3A_506] : memref<1000000x32xf32, #tpu.memory_space<hbm>> -> memref<1000000x32xf32, #tpu.memory_space<hbm>>
        tpu.enqueue_indirect_dma source(%dma_start3A_507 : memref<1000000x32xf32, #tpu.memory_space<hbm>>) target(%dma_start3A_503 : memref<64x32xf32, #tpu.memory_space<vmem>>) offsets(%dma_start3A_504 : memref<64xi32, #tpu.memory_space<vmem>>) semaphore(%arg15 : memref<!tpu.dma_semaphore, #tpu.memory_space<semaphore_mem>>)
        %dma_start3A_508 = arith.constant 64 : i32
        %dma_start3A_509 = arith.constant 0 : i32
        %dma_start3A_510 = tpu.memref_slice %arg12[%dma_start3A_508, %dma_start3A_509] : memref<320x32xf32, #tpu.memory_space<vmem>> -> memref<64x32xf32, #tpu.memory_space<vmem>>
        %dma_start3A_511 = tpu.memref_slice %arg8[%add3A_447] : memref<2560xi32, #tpu.memory_space<vmem>> -> memref<64xi32, #tpu.memory_space<vmem>>
        %dma_start3A_512 = arith.constant 0 : i32
        %dma_start3A_513 = arith.constant 0 : i32
        %dma_start3A_514 = tpu.memref_slice %arg5[%dma_start3A_512, %dma_start3A_513] : memref<1000000x32xf32, #tpu.memory_space<hbm>> -> memref<1000000x32xf32, #tpu.memory_space<hbm>>
        tpu.enqueue_indirect_dma source(%dma_start3A_514 : memref<1000000x32xf32, #tpu.memory_space<hbm>>) target(%dma_start3A_510 : memref<64x32xf32, #tpu.memory_space<vmem>>) offsets(%dma_start3A_511 : memref<64xi32, #tpu.memory_space<vmem>>) semaphore(%arg15 : memref<!tpu.dma_semaphore, #tpu.memory_space<semaphore_mem>>)
        %dma_start3A_515 = arith.constant 128 : i32
        %dma_start3A_516 = arith.constant 0 : i32
        %dma_start3A_517 = tpu.memref_slice %arg12[%dma_start3A_515, %dma_start3A_516] : memref<320x32xf32, #tpu.memory_space<vmem>> -> memref<64x32xf32, #tpu.memory_space<vmem>>
        %dma_start3A_518 = tpu.memref_slice %arg8[%add3A_453] : memref<2560xi32, #tpu.memory_space<vmem>> -> memref<64xi32, #tpu.memory_space<vmem>>
        %dma_start3A_519 = arith.constant 0 : i32
        %dma_start3A_520 = arith.constant 0 : i32
        %dma_start3A_521 = tpu.memref_slice %arg5[%dma_start3A_519, %dma_start3A_520] : memref<1000000x32xf32, #tpu.memory_space<hbm>> -> memref<1000000x32xf32, #tpu.memory_space<hbm>>
        tpu.enqueue_indirect_dma source(%dma_start3A_521 : memref<1000000x32xf32, #tpu.memory_space<hbm>>) target(%dma_start3A_517 : memref<64x32xf32, #tpu.memory_space<vmem>>) offsets(%dma_start3A_518 : memref<64xi32, #tpu.memory_space<vmem>>) semaphore(%arg15 : memref<!tpu.dma_semaphore, #tpu.memory_space<semaphore_mem>>)
        %dma_start3A_522 = arith.constant 192 : i32
        %dma_start3A_523 = arith.constant 0 : i32
        %dma_start3A_524 = tpu.memref_slice %arg12[%dma_start3A_522, %dma_start3A_523] : memref<320x32xf32, #tpu.memory_space<vmem>> -> memref<64x32xf32, #tpu.memory_space<vmem>>
        %dma_start3A_525 = tpu.memref_slice %arg8[%add3A_459] : memref<2560xi32, #tpu.memory_space<vmem>> -> memref<64xi32, #tpu.memory_space<vmem>>
        %dma_start3A_526 = arith.constant 0 : i32
        %dma_start3A_527 = arith.constant 0 : i32
        %dma_start3A_528 = tpu.memref_slice %arg5[%dma_start3A_526, %dma_start3A_527] : memref<1000000x32xf32, #tpu.memory_space<hbm>> -> memref<1000000x32xf32, #tpu.memory_space<hbm>>
        tpu.enqueue_indirect_dma source(%dma_start3A_528 : memref<1000000x32xf32, #tpu.memory_space<hbm>>) target(%dma_start3A_524 : memref<64x32xf32, #tpu.memory_space<vmem>>) offsets(%dma_start3A_525 : memref<64xi32, #tpu.memory_space<vmem>>) semaphore(%arg15 : memref<!tpu.dma_semaphore, #tpu.memory_space<semaphore_mem>>)
        %dma_start3A_529 = arith.constant 256 : i32
        %dma_start3A_530 = arith.constant 0 : i32
        %dma_start3A_531 = tpu.memref_slice %arg12[%dma_start3A_529, %dma_start3A_530] : memref<320x32xf32, #tpu.memory_space<vmem>> -> memref<64x32xf32, #tpu.memory_space<vmem>>
        %dma_start3A_532 = tpu.memref_slice %arg8[%add3A_465] : memref<2560xi32, #tpu.memory_space<vmem>> -> memref<64xi32, #tpu.memory_space<vmem>>
        %dma_start3A_533 = arith.constant 0 : i32
        %dma_start3A_534 = arith.constant 0 : i32
        %dma_start3A_535 = tpu.memref_slice %arg5[%dma_start3A_533, %dma_start3A_534] : memref<1000000x32xf32, #tpu.memory_space<hbm>> -> memref<1000000x32xf32, #tpu.memory_space<hbm>>
        tpu.enqueue_indirect_dma source(%dma_start3A_535 : memref<1000000x32xf32, #tpu.memory_space<hbm>>) target(%dma_start3A_531 : memref<64x32xf32, #tpu.memory_space<vmem>>) offsets(%dma_start3A_532 : memref<64xi32, #tpu.memory_space<vmem>>) semaphore(%arg15 : memref<!tpu.dma_semaphore, #tpu.memory_space<semaphore_mem>>)
      } else {
      }
      %mul3A_102 = arith.constant 64 : i32
      %mul3A_103 = arith.muli %add3A_97, %mul3A_102 : i32
      %mul3A_104 = arith.constant 10 : i32
      %mul3A_105 = arith.muli %mul3A_103, %mul3A_104 : i32
      %add3A_106 = arith.constant 0 : i32
      %add3A_107 = arith.addi %mul3A_105, %add3A_106 : i32
      %mul3A_108 = arith.constant 64 : i32
      %mul3A_109 = arith.muli %add3A_97, %mul3A_108 : i32
      %mul3A_110 = arith.constant 10 : i32
      %mul3A_111 = arith.muli %mul3A_109, %mul3A_110 : i32
      %add3A_112 = arith.constant 128 : i32
      %add3A_113 = arith.addi %mul3A_111, %add3A_112 : i32
      %mul3A_114 = arith.constant 64 : i32
      %mul3A_115 = arith.muli %add3A_97, %mul3A_114 : i32
      %mul3A_116 = arith.constant 10 : i32
      %mul3A_117 = arith.muli %mul3A_115, %mul3A_116 : i32
      %add3A_118 = arith.constant 256 : i32
      %add3A_119 = arith.addi %mul3A_117, %add3A_118 : i32
      %mul3A_120 = arith.constant 64 : i32
      %mul3A_121 = arith.muli %add3A_97, %mul3A_120 : i32
      %mul3A_122 = arith.constant 10 : i32
      %mul3A_123 = arith.muli %mul3A_121, %mul3A_122 : i32
      %add3A_124 = arith.constant 384 : i32
      %add3A_125 = arith.addi %mul3A_123, %add3A_124 : i32
      %mul3A_126 = arith.constant 64 : i32
      %mul3A_127 = arith.muli %add3A_97, %mul3A_126 : i32
      %mul3A_128 = arith.constant 10 : i32
      %mul3A_129 = arith.muli %mul3A_127, %mul3A_128 : i32
      %add3A_130 = arith.constant 512 : i32
      %add3A_131 = arith.addi %mul3A_129, %add3A_130 : i32
      %mul3A_132 = arith.constant 64 : i32
      %mul3A_133 = arith.muli %add3A_97, %mul3A_132 : i32
      %mul3A_134 = arith.constant 5 : i32
      %mul3A_135 = arith.muli %mul3A_133, %mul3A_134 : i32
      %add3A_136 = arith.constant 0 : i32
      %add3A_137 = arith.addi %mul3A_135, %add3A_136 : i32
      %mul3A_138 = arith.constant 64 : i32
      %mul3A_139 = arith.muli %add3A_97, %mul3A_138 : i32
      %mul3A_140 = arith.constant 5 : i32
      %mul3A_141 = arith.muli %mul3A_139, %mul3A_140 : i32
      %add3A_142 = arith.constant 64 : i32
      %add3A_143 = arith.addi %mul3A_141, %add3A_142 : i32
      %mul3A_144 = arith.constant 64 : i32
      %mul3A_145 = arith.muli %add3A_97, %mul3A_144 : i32
      %mul3A_146 = arith.constant 5 : i32
      %mul3A_147 = arith.muli %mul3A_145, %mul3A_146 : i32
      %add3A_148 = arith.constant 128 : i32
      %add3A_149 = arith.addi %mul3A_147, %add3A_148 : i32
      %mul3A_150 = arith.constant 64 : i32
      %mul3A_151 = arith.muli %add3A_97, %mul3A_150 : i32
      %mul3A_152 = arith.constant 5 : i32
      %mul3A_153 = arith.muli %mul3A_151, %mul3A_152 : i32
      %add3A_154 = arith.constant 192 : i32
      %add3A_155 = arith.addi %mul3A_153, %add3A_154 : i32
      %mul3A_156 = arith.constant 64 : i32
      %mul3A_157 = arith.muli %add3A_97, %mul3A_156 : i32
      %mul3A_158 = arith.constant 5 : i32
      %mul3A_159 = arith.muli %mul3A_157, %mul3A_158 : i32
      %add3A_160 = arith.constant 256 : i32
      %add3A_161 = arith.addi %mul3A_159, %add3A_160 : i32
      %dma_wait3A = arith.constant 0 : i32
      %dma_wait3A_162 = arith.constant 0 : i32
      %dma_wait3A_163 = tpu.memref_slice %arg9[%dma_wait3A, %dma_wait3A_162] : memref<640x32xf32, #tpu.memory_space<vmem>> -> memref<128x32xf32, #tpu.memory_space<vmem>>
      %dma_wait3A_164 = tpu.memref_slice %arg7[%add3A_107] : memref<5120xi32, #tpu.memory_space<vmem>> -> memref<128xi32, #tpu.memory_space<vmem>>
      %dma_wait3A_165 = arith.constant 0 : i32
      %dma_wait3A_166 = arith.constant 0 : i32
      %dma_wait3A_167 = tpu.memref_slice %arg4[%dma_wait3A_165, %dma_wait3A_166] : memref<1000000x32xf32, #tpu.memory_space<hbm>> -> memref<1000000x32xf32, #tpu.memory_space<hbm>>
      tpu.wait_indirect_dma semaphore(%arg14 : memref<!tpu.dma_semaphore, #tpu.memory_space<semaphore_mem>>) src(%dma_wait3A_167 : memref<1000000x32xf32, #tpu.memory_space<hbm>>) dst(%dma_wait3A_163 : memref<128x32xf32, #tpu.memory_space<vmem>>)
      %dma_wait3A_168 = arith.constant 128 : i32
      %dma_wait3A_169 = arith.constant 0 : i32
      %dma_wait3A_170 = tpu.memref_slice %arg9[%dma_wait3A_168, %dma_wait3A_169] : memref<640x32xf32, #tpu.memory_space<vmem>> -> memref<128x32xf32, #tpu.memory_space<vmem>>
      %dma_wait3A_171 = tpu.memref_slice %arg7[%add3A_113] : memref<5120xi32, #tpu.memory_space<vmem>> -> memref<128xi32, #tpu.memory_space<vmem>>
      %dma_wait3A_172 = arith.constant 0 : i32
      %dma_wait3A_173 = arith.constant 0 : i32
      %dma_wait3A_174 = tpu.memref_slice %arg4[%dma_wait3A_172, %dma_wait3A_173] : memref<1000000x32xf32, #tpu.memory_space<hbm>> -> memref<1000000x32xf32, #tpu.memory_space<hbm>>
      tpu.wait_indirect_dma semaphore(%arg14 : memref<!tpu.dma_semaphore, #tpu.memory_space<semaphore_mem>>) src(%dma_wait3A_174 : memref<1000000x32xf32, #tpu.memory_space<hbm>>) dst(%dma_wait3A_170 : memref<128x32xf32, #tpu.memory_space<vmem>>)
      %dma_wait3A_175 = arith.constant 256 : i32
      %dma_wait3A_176 = arith.constant 0 : i32
      %dma_wait3A_177 = tpu.memref_slice %arg9[%dma_wait3A_175, %dma_wait3A_176] : memref<640x32xf32, #tpu.memory_space<vmem>> -> memref<128x32xf32, #tpu.memory_space<vmem>>
      %dma_wait3A_178 = tpu.memref_slice %arg7[%add3A_119] : memref<5120xi32, #tpu.memory_space<vmem>> -> memref<128xi32, #tpu.memory_space<vmem>>
      %dma_wait3A_179 = arith.constant 0 : i32
      %dma_wait3A_180 = arith.constant 0 : i32
      %dma_wait3A_181 = tpu.memref_slice %arg4[%dma_wait3A_179, %dma_wait3A_180] : memref<1000000x32xf32, #tpu.memory_space<hbm>> -> memref<1000000x32xf32, #tpu.memory_space<hbm>>
      tpu.wait_indirect_dma semaphore(%arg14 : memref<!tpu.dma_semaphore, #tpu.memory_space<semaphore_mem>>) src(%dma_wait3A_181 : memref<1000000x32xf32, #tpu.memory_space<hbm>>) dst(%dma_wait3A_177 : memref<128x32xf32, #tpu.memory_space<vmem>>)
      %dma_wait3A_182 = arith.constant 384 : i32
      %dma_wait3A_183 = arith.constant 0 : i32
      %dma_wait3A_184 = tpu.memref_slice %arg9[%dma_wait3A_182, %dma_wait3A_183] : memref<640x32xf32, #tpu.memory_space<vmem>> -> memref<128x32xf32, #tpu.memory_space<vmem>>
      %dma_wait3A_185 = tpu.memref_slice %arg7[%add3A_125] : memref<5120xi32, #tpu.memory_space<vmem>> -> memref<128xi32, #tpu.memory_space<vmem>>
      %dma_wait3A_186 = arith.constant 0 : i32
      %dma_wait3A_187 = arith.constant 0 : i32
      %dma_wait3A_188 = tpu.memref_slice %arg4[%dma_wait3A_186, %dma_wait3A_187] : memref<1000000x32xf32, #tpu.memory_space<hbm>> -> memref<1000000x32xf32, #tpu.memory_space<hbm>>
      tpu.wait_indirect_dma semaphore(%arg14 : memref<!tpu.dma_semaphore, #tpu.memory_space<semaphore_mem>>) src(%dma_wait3A_188 : memref<1000000x32xf32, #tpu.memory_space<hbm>>) dst(%dma_wait3A_184 : memref<128x32xf32, #tpu.memory_space<vmem>>)
      %dma_wait3A_189 = arith.constant 512 : i32
      %dma_wait3A_190 = arith.constant 0 : i32
      %dma_wait3A_191 = tpu.memref_slice %arg9[%dma_wait3A_189, %dma_wait3A_190] : memref<640x32xf32, #tpu.memory_space<vmem>> -> memref<128x32xf32, #tpu.memory_space<vmem>>
      %dma_wait3A_192 = tpu.memref_slice %arg7[%add3A_131] : memref<5120xi32, #tpu.memory_space<vmem>> -> memref<128xi32, #tpu.memory_space<vmem>>
      %dma_wait3A_193 = arith.constant 0 : i32
      %dma_wait3A_194 = arith.constant 0 : i32
      %dma_wait3A_195 = tpu.memref_slice %arg4[%dma_wait3A_193, %dma_wait3A_194] : memref<1000000x32xf32, #tpu.memory_space<hbm>> -> memref<1000000x32xf32, #tpu.memory_space<hbm>>
      tpu.wait_indirect_dma semaphore(%arg14 : memref<!tpu.dma_semaphore, #tpu.memory_space<semaphore_mem>>) src(%dma_wait3A_195 : memref<1000000x32xf32, #tpu.memory_space<hbm>>) dst(%dma_wait3A_191 : memref<128x32xf32, #tpu.memory_space<vmem>>)
      %dma_wait3A_196 = arith.constant 0 : i32
      %dma_wait3A_197 = arith.constant 0 : i32
      %dma_wait3A_198 = tpu.memref_slice %arg11[%dma_wait3A_196, %dma_wait3A_197] : memref<320x32xf32, #tpu.memory_space<vmem>> -> memref<64x32xf32, #tpu.memory_space<vmem>>
      %dma_wait3A_199 = tpu.memref_slice %arg8[%add3A_137] : memref<2560xi32, #tpu.memory_space<vmem>> -> memref<64xi32, #tpu.memory_space<vmem>>
      %dma_wait3A_200 = arith.constant 0 : i32
      %dma_wait3A_201 = arith.constant 0 : i32
      %dma_wait3A_202 = tpu.memref_slice %arg5[%dma_wait3A_200, %dma_wait3A_201] : memref<1000000x32xf32, #tpu.memory_space<hbm>> -> memref<1000000x32xf32, #tpu.memory_space<hbm>>
      tpu.wait_indirect_dma semaphore(%arg14 : memref<!tpu.dma_semaphore, #tpu.memory_space<semaphore_mem>>) src(%dma_wait3A_202 : memref<1000000x32xf32, #tpu.memory_space<hbm>>) dst(%dma_wait3A_198 : memref<64x32xf32, #tpu.memory_space<vmem>>)
      %dma_wait3A_203 = arith.constant 64 : i32
      %dma_wait3A_204 = arith.constant 0 : i32
      %dma_wait3A_205 = tpu.memref_slice %arg11[%dma_wait3A_203, %dma_wait3A_204] : memref<320x32xf32, #tpu.memory_space<vmem>> -> memref<64x32xf32, #tpu.memory_space<vmem>>
      %dma_wait3A_206 = tpu.memref_slice %arg8[%add3A_143] : memref<2560xi32, #tpu.memory_space<vmem>> -> memref<64xi32, #tpu.memory_space<vmem>>
      %dma_wait3A_207 = arith.constant 0 : i32
      %dma_wait3A_208 = arith.constant 0 : i32
      %dma_wait3A_209 = tpu.memref_slice %arg5[%dma_wait3A_207, %dma_wait3A_208] : memref<1000000x32xf32, #tpu.memory_space<hbm>> -> memref<1000000x32xf32, #tpu.memory_space<hbm>>
      tpu.wait_indirect_dma semaphore(%arg14 : memref<!tpu.dma_semaphore, #tpu.memory_space<semaphore_mem>>) src(%dma_wait3A_209 : memref<1000000x32xf32, #tpu.memory_space<hbm>>) dst(%dma_wait3A_205 : memref<64x32xf32, #tpu.memory_space<vmem>>)
      %dma_wait3A_210 = arith.constant 128 : i32
      %dma_wait3A_211 = arith.constant 0 : i32
      %dma_wait3A_212 = tpu.memref_slice %arg11[%dma_wait3A_210, %dma_wait3A_211] : memref<320x32xf32, #tpu.memory_space<vmem>> -> memref<64x32xf32, #tpu.memory_space<vmem>>
      %dma_wait3A_213 = tpu.memref_slice %arg8[%add3A_149] : memref<2560xi32, #tpu.memory_space<vmem>> -> memref<64xi32, #tpu.memory_space<vmem>>
      %dma_wait3A_214 = arith.constant 0 : i32
      %dma_wait3A_215 = arith.constant 0 : i32
      %dma_wait3A_216 = tpu.memref_slice %arg5[%dma_wait3A_214, %dma_wait3A_215] : memref<1000000x32xf32, #tpu.memory_space<hbm>> -> memref<1000000x32xf32, #tpu.memory_space<hbm>>
      tpu.wait_indirect_dma semaphore(%arg14 : memref<!tpu.dma_semaphore, #tpu.memory_space<semaphore_mem>>) src(%dma_wait3A_216 : memref<1000000x32xf32, #tpu.memory_space<hbm>>) dst(%dma_wait3A_212 : memref<64x32xf32, #tpu.memory_space<vmem>>)
      %dma_wait3A_217 = arith.constant 192 : i32
      %dma_wait3A_218 = arith.constant 0 : i32
      %dma_wait3A_219 = tpu.memref_slice %arg11[%dma_wait3A_217, %dma_wait3A_218] : memref<320x32xf32, #tpu.memory_space<vmem>> -> memref<64x32xf32, #tpu.memory_space<vmem>>
      %dma_wait3A_220 = tpu.memref_slice %arg8[%add3A_155] : memref<2560xi32, #tpu.memory_space<vmem>> -> memref<64xi32, #tpu.memory_space<vmem>>
      %dma_wait3A_221 = arith.constant 0 : i32
      %dma_wait3A_222 = arith.constant 0 : i32
      %dma_wait3A_223 = tpu.memref_slice %arg5[%dma_wait3A_221, %dma_wait3A_222] : memref<1000000x32xf32, #tpu.memory_space<hbm>> -> memref<1000000x32xf32, #tpu.memory_space<hbm>>
      tpu.wait_indirect_dma semaphore(%arg14 : memref<!tpu.dma_semaphore, #tpu.memory_space<semaphore_mem>>) src(%dma_wait3A_223 : memref<1000000x32xf32, #tpu.memory_space<hbm>>) dst(%dma_wait3A_219 : memref<64x32xf32, #tpu.memory_space<vmem>>)
      %dma_wait3A_224 = arith.constant 256 : i32
      %dma_wait3A_225 = arith.constant 0 : i32
      %dma_wait3A_226 = tpu.memref_slice %arg11[%dma_wait3A_224, %dma_wait3A_225] : memref<320x32xf32, #tpu.memory_space<vmem>> -> memref<64x32xf32, #tpu.memory_space<vmem>>
      %dma_wait3A_227 = tpu.memref_slice %arg8[%add3A_161] : memref<2560xi32, #tpu.memory_space<vmem>> -> memref<64xi32, #tpu.memory_space<vmem>>
      %dma_wait3A_228 = arith.constant 0 : i32
      %dma_wait3A_229 = arith.constant 0 : i32
      %dma_wait3A_230 = tpu.memref_slice %arg5[%dma_wait3A_228, %dma_wait3A_229] : memref<1000000x32xf32, #tpu.memory_space<hbm>> -> memref<1000000x32xf32, #tpu.memory_space<hbm>>
      tpu.wait_indirect_dma semaphore(%arg14 : memref<!tpu.dma_semaphore, #tpu.memory_space<semaphore_mem>>) src(%dma_wait3A_230 : memref<1000000x32xf32, #tpu.memory_space<hbm>>) dst(%dma_wait3A_226 : memref<64x32xf32, #tpu.memory_space<vmem>>)
      %iota3A = tpu.iota {dimensions = array<i32: 0>} : vector<16xi32>
      %eq3A = arith.constant 15 : i32
      %eq3A_231 = vector.broadcast %eq3A : i32 to vector<16xi32>
      %eq3A_232 = arith.cmpi eq, %iota3A, %eq3A_231 : vector<16xi32>
      %scan3A_233 = arith.constant 0 : i32
      %scan3A_234 = arith.constant 0 : i32
      %scan3A_235 = arith.constant 64 : i32
      %scan3A_236 = arith.addi %scan3A_234, %scan3A_235 : i32
      %scan3A_237 = arith.constant 1 : i32
      scf.for %scan3A_404 = %scan3A_234 to %scan3A_236 step %scan3A_237  : i32 {
        %mul3A_405 = arith.constant 10 : i32
        %mul3A_406 = arith.muli %scan3A_404, %mul3A_405 : i32
        %get3A = arith.index_cast %mul3A_406 : i32 to index
        %get3A_407 = arith.constant 0 : index
        %get3A_408 = tpu.vector_load %arg9[%get3A, %get3A_407] {strides = array<i32>} : memref<640x32xf32, #tpu.memory_space<vmem>>, vector<16xf32>,
        %get3A_409 = arith.index_cast %mul3A_406 : i32 to index
        %get3A_410 = arith.constant 16 : index
        %get3A_411 = tpu.vector_load %arg9[%get3A_409, %get3A_410] {strides = array<i32>} : memref<640x32xf32, #tpu.memory_space<vmem>>, vector<16xf32>,
        %add3A_412 = arith.constant 1 : i32
        %add3A_413 = arith.addi %mul3A_406, %add3A_412 : i32
        %get3A_414 = arith.index_cast %add3A_413 : i32 to index
        %get3A_415 = arith.constant 0 : index
        %get3A_416 = tpu.vector_load %arg9[%get3A_414, %get3A_415] {strides = array<i32>} : memref<640x32xf32, #tpu.memory_space<vmem>>, vector<16xf32>,
        %add3A_417 = arith.addf %get3A_408, %get3A_416 : vector<16xf32>
        %add3A_418 = arith.constant 1 : i32
        %add3A_419 = arith.addi %mul3A_406, %add3A_418 : i32
        %get3A_420 = arith.index_cast %add3A_419 : i32 to index
        %get3A_421 = arith.constant 16 : index
        %get3A_422 = tpu.vector_load %arg9[%get3A_420, %get3A_421] {strides = array<i32>} : memref<640x32xf32, #tpu.memory_space<vmem>>, vector<16xf32>,
        %add3A_423 = arith.addf %get3A_411, %get3A_422 : vector<16xf32>
        %add3A_424 = arith.constant 2 : i32
        %add3A_425 = arith.addi %mul3A_406, %add3A_424 : i32
        %get3A_426 = arith.index_cast %add3A_425 : i32 to index
        %get3A_427 = arith.constant 0 : index
        %get3A_428 = tpu.vector_load %arg9[%get3A_426, %get3A_427] {strides = array<i32>} : memref<640x32xf32, #tpu.memory_space<vmem>>, vector<16xf32>,
        %add3A_429 = arith.addf %add3A_417, %get3A_428 : vector<16xf32>
        %add3A_430 = arith.constant 2 : i32
        %add3A_431 = arith.addi %mul3A_406, %add3A_430 : i32
        %get3A_432 = arith.index_cast %add3A_431 : i32 to index
        %get3A_433 = arith.constant 16 : index
        %get3A_434 = tpu.vector_load %arg9[%get3A_432, %get3A_433] {strides = array<i32>} : memref<640x32xf32, #tpu.memory_space<vmem>>, vector<16xf32>,
        %add3A_435 = arith.addf %add3A_423, %get3A_434 : vector<16xf32>
        %add3A_436 = arith.constant 3 : i32
        %add3A_437 = arith.addi %mul3A_406, %add3A_436 : i32
        %get3A_438 = arith.index_cast %add3A_437 : i32 to index
        %get3A_439 = arith.constant 0 : index
        %get3A_440 = tpu.vector_load %arg9[%get3A_438, %get3A_439] {strides = array<i32>} : memref<640x32xf32, #tpu.memory_space<vmem>>, vector<16xf32>,
        %add3A_441 = arith.addf %add3A_429, %get3A_440 : vector<16xf32>
        %add3A_442 = arith.constant 3 : i32
        %add3A_443 = arith.addi %mul3A_406, %add3A_442 : i32
        %get3A_444 = arith.index_cast %add3A_443 : i32 to index
        %get3A_445 = arith.constant 16 : index
        %get3A_446 = tpu.vector_load %arg9[%get3A_444, %get3A_445] {strides = array<i32>} : memref<640x32xf32, #tpu.memory_space<vmem>>, vector<16xf32>,
        %add3A_447 = arith.addf %add3A_435, %get3A_446 : vector<16xf32>
        %add3A_448 = arith.constant 4 : i32
        %add3A_449 = arith.addi %mul3A_406, %add3A_448 : i32
        %get3A_450 = arith.index_cast %add3A_449 : i32 to index
        %get3A_451 = arith.constant 0 : index
        %get3A_452 = tpu.vector_load %arg9[%get3A_450, %get3A_451] {strides = array<i32>} : memref<640x32xf32, #tpu.memory_space<vmem>>, vector<16xf32>,
        %add3A_453 = arith.addf %add3A_441, %get3A_452 : vector<16xf32>
        %add3A_454 = arith.constant 4 : i32
        %add3A_455 = arith.addi %mul3A_406, %add3A_454 : i32
        %get3A_456 = arith.index_cast %add3A_455 : i32 to index
        %get3A_457 = arith.constant 16 : index
        %get3A_458 = tpu.vector_load %arg9[%get3A_456, %get3A_457] {strides = array<i32>} : memref<640x32xf32, #tpu.memory_space<vmem>>, vector<16xf32>,
        %add3A_459 = arith.addf %add3A_447, %get3A_458 : vector<16xf32>
        %add3A_460 = arith.constant 5 : i32
        %add3A_461 = arith.addi %mul3A_406, %add3A_460 : i32
        %get3A_462 = arith.index_cast %add3A_461 : i32 to index
        %get3A_463 = arith.constant 0 : index
        %get3A_464 = tpu.vector_load %arg9[%get3A_462, %get3A_463] {strides = array<i32>} : memref<640x32xf32, #tpu.memory_space<vmem>>, vector<16xf32>,
        %add3A_465 = arith.addf %add3A_453, %get3A_464 : vector<16xf32>
        %add3A_466 = arith.constant 5 : i32
        %add3A_467 = arith.addi %mul3A_406, %add3A_466 : i32
        %get3A_468 = arith.index_cast %add3A_467 : i32 to index
        %get3A_469 = arith.constant 16 : index
        %get3A_470 = tpu.vector_load %arg9[%get3A_468, %get3A_469] {strides = array<i32>} : memref<640x32xf32, #tpu.memory_space<vmem>>, vector<16xf32>,
        %add3A_471 = arith.addf %add3A_459, %get3A_470 : vector<16xf32>
        %add3A_472 = arith.constant 6 : i32
        %add3A_473 = arith.addi %mul3A_406, %add3A_472 : i32
        %get3A_474 = arith.index_cast %add3A_473 : i32 to index
        %get3A_475 = arith.constant 0 : index
        %get3A_476 = tpu.vector_load %arg9[%get3A_474, %get3A_475] {strides = array<i32>} : memref<640x32xf32, #tpu.memory_space<vmem>>, vector<16xf32>,
        %add3A_477 = arith.addf %add3A_465, %get3A_476 : vector<16xf32>
        %add3A_478 = arith.constant 6 : i32
        %add3A_479 = arith.addi %mul3A_406, %add3A_478 : i32
        %get3A_480 = arith.index_cast %add3A_479 : i32 to index
        %get3A_481 = arith.constant 16 : index
        %get3A_482 = tpu.vector_load %arg9[%get3A_480, %get3A_481] {strides = array<i32>} : memref<640x32xf32, #tpu.memory_space<vmem>>, vector<16xf32>,
        %add3A_483 = arith.addf %add3A_471, %get3A_482 : vector<16xf32>
        %add3A_484 = arith.constant 7 : i32
        %add3A_485 = arith.addi %mul3A_406, %add3A_484 : i32
        %get3A_486 = arith.index_cast %add3A_485 : i32 to index
        %get3A_487 = arith.constant 0 : index
        %get3A_488 = tpu.vector_load %arg9[%get3A_486, %get3A_487] {strides = array<i32>} : memref<640x32xf32, #tpu.memory_space<vmem>>, vector<16xf32>,
        %add3A_489 = arith.addf %add3A_477, %get3A_488 : vector<16xf32>
        %add3A_490 = arith.constant 7 : i32
        %add3A_491 = arith.addi %mul3A_406, %add3A_490 : i32
        %get3A_492 = arith.index_cast %add3A_491 : i32 to index
        %get3A_493 = arith.constant 16 : index
        %get3A_494 = tpu.vector_load %arg9[%get3A_492, %get3A_493] {strides = array<i32>} : memref<640x32xf32, #tpu.memory_space<vmem>>, vector<16xf32>,
        %add3A_495 = arith.addf %add3A_483, %get3A_494 : vector<16xf32>
        %add3A_496 = arith.constant 8 : i32
        %add3A_497 = arith.addi %mul3A_406, %add3A_496 : i32
        %get3A_498 = arith.index_cast %add3A_497 : i32 to index
        %get3A_499 = arith.constant 0 : index
        %get3A_500 = tpu.vector_load %arg9[%get3A_498, %get3A_499] {strides = array<i32>} : memref<640x32xf32, #tpu.memory_space<vmem>>, vector<16xf32>,
        %add3A_501 = arith.addf %add3A_489, %get3A_500 : vector<16xf32>
        %add3A_502 = arith.constant 8 : i32
        %add3A_503 = arith.addi %mul3A_406, %add3A_502 : i32
        %get3A_504 = arith.index_cast %add3A_503 : i32 to index
        %get3A_505 = arith.constant 16 : index
        %get3A_506 = tpu.vector_load %arg9[%get3A_504, %get3A_505] {strides = array<i32>} : memref<640x32xf32, #tpu.memory_space<vmem>>, vector<16xf32>,
        %add3A_507 = arith.addf %add3A_495, %get3A_506 : vector<16xf32>
        %add3A_508 = arith.constant 9 : i32
        %add3A_509 = arith.addi %mul3A_406, %add3A_508 : i32
        %get3A_510 = arith.index_cast %add3A_509 : i32 to index
        %get3A_511 = arith.constant 0 : index
        %get3A_512 = tpu.vector_load %arg9[%get3A_510, %get3A_511] {strides = array<i32>} : memref<640x32xf32, #tpu.memory_space<vmem>>, vector<16xf32>,
        %add3A_513 = arith.addf %add3A_501, %get3A_512 : vector<16xf32>
        %add3A_514 = arith.constant 9 : i32
        %add3A_515 = arith.addi %mul3A_406, %add3A_514 : i32
        %get3A_516 = arith.index_cast %add3A_515 : i32 to index
        %get3A_517 = arith.constant 16 : index
        %get3A_518 = tpu.vector_load %arg9[%get3A_516, %get3A_517] {strides = array<i32>} : memref<640x32xf32, #tpu.memory_space<vmem>>, vector<16xf32>,
        %add3A_519 = arith.addf %add3A_507, %get3A_518 : vector<16xf32>
        %mul3A_520 = arith.constant 5 : i32
        %mul3A_521 = arith.muli %scan3A_404, %mul3A_520 : i32
        %add3A_522 = arith.constant 0 : i32
        %add3A_523 = arith.addi %mul3A_521, %add3A_522 : i32
        %get3A_524 = arith.index_cast %add3A_523 : i32 to index
        %get3A_525 = arith.constant 0 : index
        %get3A_526 = tpu.vector_load %arg11[%get3A_524, %get3A_525] {strides = array<i32>} : memref<320x32xf32, #tpu.memory_space<vmem>>, vector<16xf32>,
        %mul3A_527 = arith.mulf %get3A_526, %add3A_513 : vector<16xf32>
        %add3A_528 = arith.constant 0 : i32
        %add3A_529 = arith.addi %mul3A_521, %add3A_528 : i32
        %get3A_530 = arith.index_cast %add3A_529 : i32 to index
        %get3A_531 = arith.constant 16 : index
        %get3A_532 = tpu.vector_load %arg11[%get3A_530, %get3A_531] {strides = array<i32>} : memref<320x32xf32, #tpu.memory_space<vmem>>, vector<16xf32>,
        %mul3A_533 = arith.mulf %get3A_532, %add3A_519 : vector<16xf32>
        %add3A_534 = arith.addf %mul3A_527, %mul3A_533 : vector<16xf32>
        %broadcast_in_dim3A = arith.constant true
        %broadcast_in_dim3A_535 = vector.broadcast %broadcast_in_dim3A : i1 to vector<16xi1>
        %masked_cumsum3A = tpu.scan <sum>, %add3A_534 masked %broadcast_in_dim3A_535 : vector<16xf32>, vector<16xi1> -> vector<16xf32>
        %add3A_536 = arith.constant 0 : i32
        %add3A_537 = arith.addi %mul3A_521, %add3A_536 : i32
        %broadcast_in_dim3A_538 = vector.broadcast %add3A_537 : i32 to vector<16xi32>
        tpu.vector_store_idx %arg13[%broadcast_in_dim3A_538], %masked_cumsum3A masked %eq3A_232 : memref<320xf32, #tpu.memory_space<vmem>>[vector<16xi32>], vector<16xf32>, vector<16xi1>
        %add3A_539 = arith.constant 1 : i32
        %add3A_540 = arith.addi %mul3A_521, %add3A_539 : i32
        %get3A_541 = arith.index_cast %add3A_540 : i32 to index
        %get3A_542 = arith.constant 0 : index
        %get3A_543 = tpu.vector_load %arg11[%get3A_541, %get3A_542] {strides = array<i32>} : memref<320x32xf32, #tpu.memory_space<vmem>>, vector<16xf32>,
        %mul3A_544 = arith.mulf %get3A_543, %add3A_513 : vector<16xf32>
        %add3A_545 = arith.constant 1 : i32
        %add3A_546 = arith.addi %mul3A_521, %add3A_545 : i32
        %get3A_547 = arith.index_cast %add3A_546 : i32 to index
        %get3A_548 = arith.constant 16 : index
        %get3A_549 = tpu.vector_load %arg11[%get3A_547, %get3A_548] {strides = array<i32>} : memref<320x32xf32, #tpu.memory_space<vmem>>, vector<16xf32>,
        %mul3A_550 = arith.mulf %get3A_549, %add3A_519 : vector<16xf32>
        %add3A_551 = arith.addf %mul3A_544, %mul3A_550 : vector<16xf32>
        %broadcast_in_dim3A_552 = arith.constant true
        %broadcast_in_dim3A_553 = vector.broadcast %broadcast_in_dim3A_552 : i1 to vector<16xi1>
        %masked_cumsum3A_554 = tpu.scan <sum>, %add3A_551 masked %broadcast_in_dim3A_553 : vector<16xf32>, vector<16xi1> -> vector<16xf32>
        %add3A_555 = arith.constant 1 : i32
        %add3A_556 = arith.addi %mul3A_521, %add3A_555 : i32
        %broadcast_in_dim3A_557 = vector.broadcast %add3A_556 : i32 to vector<16xi32>
        tpu.vector_store_idx %arg13[%broadcast_in_dim3A_557], %masked_cumsum3A_554 masked %eq3A_232 : memref<320xf32, #tpu.memory_space<vmem>>[vector<16xi32>], vector<16xf32>, vector<16xi1>
        %add3A_558 = arith.constant 2 : i32
        %add3A_559 = arith.addi %mul3A_521, %add3A_558 : i32
        %get3A_560 = arith.index_cast %add3A_559 : i32 to index
        %get3A_561 = arith.constant 0 : index
        %get3A_562 = tpu.vector_load %arg11[%get3A_560, %get3A_561] {strides = array<i32>} : memref<320x32xf32, #tpu.memory_space<vmem>>, vector<16xf32>,
        %mul3A_563 = arith.mulf %get3A_562, %add3A_513 : vector<16xf32>
        %add3A_564 = arith.constant 2 : i32
        %add3A_565 = arith.addi %mul3A_521, %add3A_564 : i32
        %get3A_566 = arith.index_cast %add3A_565 : i32 to index
        %get3A_567 = arith.constant 16 : index
        %get3A_568 = tpu.vector_load %arg11[%get3A_566, %get3A_567] {strides = array<i32>} : memref<320x32xf32, #tpu.memory_space<vmem>>, vector<16xf32>,
        %mul3A_569 = arith.mulf %get3A_568, %add3A_519 : vector<16xf32>
        %add3A_570 = arith.addf %mul3A_563, %mul3A_569 : vector<16xf32>
        %broadcast_in_dim3A_571 = arith.constant true
        %broadcast_in_dim3A_572 = vector.broadcast %broadcast_in_dim3A_571 : i1 to vector<16xi1>
        %masked_cumsum3A_573 = tpu.scan <sum>, %add3A_570 masked %broadcast_in_dim3A_572 : vector<16xf32>, vector<16xi1> -> vector<16xf32>
        %add3A_574 = arith.constant 2 : i32
        %add3A_575 = arith.addi %mul3A_521, %add3A_574 : i32
        %broadcast_in_dim3A_576 = vector.broadcast %add3A_575 : i32 to vector<16xi32>
        tpu.vector_store_idx %arg13[%broadcast_in_dim3A_576], %masked_cumsum3A_573 masked %eq3A_232 : memref<320xf32, #tpu.memory_space<vmem>>[vector<16xi32>], vector<16xf32>, vector<16xi1>
        %add3A_577 = arith.constant 3 : i32
        %add3A_578 = arith.addi %mul3A_521, %add3A_577 : i32
        %get3A_579 = arith.index_cast %add3A_578 : i32 to index
        %get3A_580 = arith.constant 0 : index
        %get3A_581 = tpu.vector_load %arg11[%get3A_579, %get3A_580] {strides = array<i32>} : memref<320x32xf32, #tpu.memory_space<vmem>>, vector<16xf32>,
        %mul3A_582 = arith.mulf %get3A_581, %add3A_513 : vector<16xf32>
        %add3A_583 = arith.constant 3 : i32
        %add3A_584 = arith.addi %mul3A_521, %add3A_583 : i32
        %get3A_585 = arith.index_cast %add3A_584 : i32 to index
        %get3A_586 = arith.constant 16 : index
        %get3A_587 = tpu.vector_load %arg11[%get3A_585, %get3A_586] {strides = array<i32>} : memref<320x32xf32, #tpu.memory_space<vmem>>, vector<16xf32>,
        %mul3A_588 = arith.mulf %get3A_587, %add3A_519 : vector<16xf32>
        %add3A_589 = arith.addf %mul3A_582, %mul3A_588 : vector<16xf32>
        %broadcast_in_dim3A_590 = arith.constant true
        %broadcast_in_dim3A_591 = vector.broadcast %broadcast_in_dim3A_590 : i1 to vector<16xi1>
        %masked_cumsum3A_592 = tpu.scan <sum>, %add3A_589 masked %broadcast_in_dim3A_591 : vector<16xf32>, vector<16xi1> -> vector<16xf32>
        %add3A_593 = arith.constant 3 : i32
        %add3A_594 = arith.addi %mul3A_521, %add3A_593 : i32
        %broadcast_in_dim3A_595 = vector.broadcast %add3A_594 : i32 to vector<16xi32>
        tpu.vector_store_idx %arg13[%broadcast_in_dim3A_595], %masked_cumsum3A_592 masked %eq3A_232 : memref<320xf32, #tpu.memory_space<vmem>>[vector<16xi32>], vector<16xf32>, vector<16xi1>
        %add3A_596 = arith.constant 4 : i32
        %add3A_597 = arith.addi %mul3A_521, %add3A_596 : i32
        %get3A_598 = arith.index_cast %add3A_597 : i32 to index
        %get3A_599 = arith.constant 0 : index
        %get3A_600 = tpu.vector_load %arg11[%get3A_598, %get3A_599] {strides = array<i32>} : memref<320x32xf32, #tpu.memory_space<vmem>>, vector<16xf32>,
        %mul3A_601 = arith.mulf %get3A_600, %add3A_513 : vector<16xf32>
        %add3A_602 = arith.constant 4 : i32
        %add3A_603 = arith.addi %mul3A_521, %add3A_602 : i32
        %get3A_604 = arith.index_cast %add3A_603 : i32 to index
        %get3A_605 = arith.constant 16 : index
        %get3A_606 = tpu.vector_load %arg11[%get3A_604, %get3A_605] {strides = array<i32>} : memref<320x32xf32, #tpu.memory_space<vmem>>, vector<16xf32>,
        %mul3A_607 = arith.mulf %get3A_606, %add3A_519 : vector<16xf32>
        %add3A_608 = arith.addf %mul3A_601, %mul3A_607 : vector<16xf32>
        %broadcast_in_dim3A_609 = arith.constant true
        %broadcast_in_dim3A_610 = vector.broadcast %broadcast_in_dim3A_609 : i1 to vector<16xi1>
        %masked_cumsum3A_611 = tpu.scan <sum>, %add3A_608 masked %broadcast_in_dim3A_610 : vector<16xf32>, vector<16xi1> -> vector<16xf32>
        %add3A_612 = arith.constant 4 : i32
        %add3A_613 = arith.addi %mul3A_521, %add3A_612 : i32
        %broadcast_in_dim3A_614 = vector.broadcast %add3A_613 : i32 to vector<16xi32>
        tpu.vector_store_idx %arg13[%broadcast_in_dim3A_614], %masked_cumsum3A_611 masked %eq3A_232 : memref<320xf32, #tpu.memory_space<vmem>>[vector<16xi32>], vector<16xf32>, vector<16xi1>
      }
      %scan3A_238 = arith.constant 64 : i32
      %mul3A_239 = arith.constant 2560 : i32
      %mul3A_240 = arith.muli %add3A, %mul3A_239 : i32
      %mul3A_241 = arith.constant 64 : i32
      %mul3A_242 = arith.muli %add3A_97, %mul3A_241 : i32
      %mul3A_243 = arith.constant 5 : i32
      %mul3A_244 = arith.muli %mul3A_242, %mul3A_243 : i32
      %add3A_245 = arith.addi %mul3A_240, %mul3A_244 : i32
      "tpu.region"() ({
        %run_scoped3A = tpu.sem_alloc : memref<!tpu.dma_semaphore, #tpu.memory_space<semaphore_mem>>
        %dma_start3A_404 = tpu.memref_slice %arg6[%add3A_245] : memref<81920xf32, #tpu.memory_space<hbm>> -> memref<320xf32, #tpu.memory_space<hbm>>
        %dma_start3A_405 = tpu.memref_slice %arg6[%add3A_245] : memref<81920xf32, #tpu.memory_space<hbm>> -> memref<320xf32, #tpu.memory_space<hbm>>
        tpu.enqueue_dma source(%arg13 : memref<320xf32, #tpu.memory_space<vmem>>) target(%dma_start3A_405 : memref<320xf32, #tpu.memory_space<hbm>>) target_semaphore(%run_scoped3A : memref<!tpu.dma_semaphore, #tpu.memory_space<semaphore_mem>>)
        %dma_wait3A_406 = tpu.memref_slice %arg6[%add3A_245] : memref<81920xf32, #tpu.memory_space<hbm>> -> memref<320xf32, #tpu.memory_space<hbm>>
        %dma_wait3A_407 = tpu.memref_slice %arg6[%add3A_245] : memref<81920xf32, #tpu.memory_space<hbm>> -> memref<320xf32, #tpu.memory_space<hbm>>
        tpu.wait_dma2 semaphore(%run_scoped3A : memref<!tpu.dma_semaphore, #tpu.memory_space<semaphore_mem>>) src(%arg13 : memref<320xf32, #tpu.memory_space<vmem>>) dst(%dma_wait3A_407 : memref<320xf32, #tpu.memory_space<hbm>>)
        tpu.yield
      }) : () -> ()
      %mul3A_246 = arith.constant 2 : i32
      %mul3A_247 = arith.muli %scan3A_93, %mul3A_246 : i32
      %add3A_248 = arith.constant 1 : i32
      %add3A_249 = arith.addi %mul3A_247, %add3A_248 : i32
      %add3A_250 = arith.constant 1 : i32
      %add3A_251 = arith.addi %add3A_249, %add3A_250 : i32
      %lt3A_252 = arith.constant 8 : i32
      %lt3A_253 = arith.cmpi slt, %add3A_251, %lt3A_252 : i32
      %convert_element_type3A_254 = arith.extui %lt3A_253 : i1 to i32
      %cond3A_255 = arith.constant 0 : i32
      %cond3A_256 = arith.cmpi ne, %convert_element_type3A_254, %cond3A_255 : i32
      scf.if %cond3A_256 {
        %add3A_404 = arith.constant 1 : i32
        %add3A_405 = arith.addi %add3A_249, %add3A_404 : i32
        %mul3A_406 = arith.constant 64 : i32
        %mul3A_407 = arith.muli %add3A_405, %mul3A_406 : i32
        %mul3A_408 = arith.constant 10 : i32
        %mul3A_409 = arith.muli %mul3A_407, %mul3A_408 : i32
        %add3A_410 = arith.constant 0 : i32
        %add3A_411 = arith.addi %mul3A_409, %add3A_410 : i32
        %mul3A_412 = arith.constant 64 : i32
        %mul3A_413 = arith.muli %add3A_405, %mul3A_412 : i32
        %mul3A_414 = arith.constant 10 : i32
        %mul3A_415 = arith.muli %mul3A_413, %mul3A_414 : i32
        %add3A_416 = arith.constant 128 : i32
        %add3A_417 = arith.addi %mul3A_415, %add3A_416 : i32
        %mul3A_418 = arith.constant 64 : i32
        %mul3A_419 = arith.muli %add3A_405, %mul3A_418 : i32
        %mul3A_420 = arith.constant 10 : i32
        %mul3A_421 = arith.muli %mul3A_419, %mul3A_420 : i32
        %add3A_422 = arith.constant 256 : i32
        %add3A_423 = arith.addi %mul3A_421, %add3A_422 : i32
        %mul3A_424 = arith.constant 64 : i32
        %mul3A_425 = arith.muli %add3A_405, %mul3A_424 : i32
        %mul3A_426 = arith.constant 10 : i32
        %mul3A_427 = arith.muli %mul3A_425, %mul3A_426 : i32
        %add3A_428 = arith.constant 384 : i32
        %add3A_429 = arith.addi %mul3A_427, %add3A_428 : i32
        %mul3A_430 = arith.constant 64 : i32
        %mul3A_431 = arith.muli %add3A_405, %mul3A_430 : i32
        %mul3A_432 = arith.constant 10 : i32
        %mul3A_433 = arith.muli %mul3A_431, %mul3A_432 : i32
        %add3A_434 = arith.constant 512 : i32
        %add3A_435 = arith.addi %mul3A_433, %add3A_434 : i32
        %mul3A_436 = arith.constant 64 : i32
        %mul3A_437 = arith.muli %add3A_405, %mul3A_436 : i32
        %mul3A_438 = arith.constant 5 : i32
        %mul3A_439 = arith.muli %mul3A_437, %mul3A_438 : i32
        %add3A_440 = arith.constant 0 : i32
        %add3A_441 = arith.addi %mul3A_439, %add3A_440 : i32
        %mul3A_442 = arith.constant 64 : i32
        %mul3A_443 = arith.muli %add3A_405, %mul3A_442 : i32
        %mul3A_444 = arith.constant 5 : i32
        %mul3A_445 = arith.muli %mul3A_443, %mul3A_444 : i32
        %add3A_446 = arith.constant 64 : i32
        %add3A_447 = arith.addi %mul3A_445, %add3A_446 : i32
        %mul3A_448 = arith.constant 64 : i32
        %mul3A_449 = arith.muli %add3A_405, %mul3A_448 : i32
        %mul3A_450 = arith.constant 5 : i32
        %mul3A_451 = arith.muli %mul3A_449, %mul3A_450 : i32
        %add3A_452 = arith.constant 128 : i32
        %add3A_453 = arith.addi %mul3A_451, %add3A_452 : i32
        %mul3A_454 = arith.constant 64 : i32
        %mul3A_455 = arith.muli %add3A_405, %mul3A_454 : i32
        %mul3A_456 = arith.constant 5 : i32
        %mul3A_457 = arith.muli %mul3A_455, %mul3A_456 : i32
        %add3A_458 = arith.constant 192 : i32
        %add3A_459 = arith.addi %mul3A_457, %add3A_458 : i32
        %mul3A_460 = arith.constant 64 : i32
        %mul3A_461 = arith.muli %add3A_405, %mul3A_460 : i32
        %mul3A_462 = arith.constant 5 : i32
        %mul3A_463 = arith.muli %mul3A_461, %mul3A_462 : i32
        %add3A_464 = arith.constant 256 : i32
        %add3A_465 = arith.addi %mul3A_463, %add3A_464 : i32
        %dma_start3A_466 = arith.constant 0 : i32
        %dma_start3A_467 = arith.constant 0 : i32
        %dma_start3A_468 = tpu.memref_slice %arg9[%dma_start3A_466, %dma_start3A_467] : memref<640x32xf32, #tpu.memory_space<vmem>> -> memref<128x32xf32, #tpu.memory_space<vmem>>
        %dma_start3A_469 = tpu.memref_slice %arg7[%add3A_411] : memref<5120xi32, #tpu.memory_space<vmem>> -> memref<128xi32, #tpu.memory_space<vmem>>
        %dma_start3A_470 = arith.constant 0 : i32
        %dma_start3A_471 = arith.constant 0 : i32
        %dma_start3A_472 = tpu.memref_slice %arg4[%dma_start3A_470, %dma_start3A_471] : memref<1000000x32xf32, #tpu.memory_space<hbm>> -> memref<1000000x32xf32, #tpu.memory_space<hbm>>
        tpu.enqueue_indirect_dma source(%dma_start3A_472 : memref<1000000x32xf32, #tpu.memory_space<hbm>>) target(%dma_start3A_468 : memref<128x32xf32, #tpu.memory_space<vmem>>) offsets(%dma_start3A_469 : memref<128xi32, #tpu.memory_space<vmem>>) semaphore(%arg14 : memref<!tpu.dma_semaphore, #tpu.memory_space<semaphore_mem>>)
        %dma_start3A_473 = arith.constant 128 : i32
        %dma_start3A_474 = arith.constant 0 : i32
        %dma_start3A_475 = tpu.memref_slice %arg9[%dma_start3A_473, %dma_start3A_474] : memref<640x32xf32, #tpu.memory_space<vmem>> -> memref<128x32xf32, #tpu.memory_space<vmem>>
        %dma_start3A_476 = tpu.memref_slice %arg7[%add3A_417] : memref<5120xi32, #tpu.memory_space<vmem>> -> memref<128xi32, #tpu.memory_space<vmem>>
        %dma_start3A_477 = arith.constant 0 : i32
        %dma_start3A_478 = arith.constant 0 : i32
        %dma_start3A_479 = tpu.memref_slice %arg4[%dma_start3A_477, %dma_start3A_478] : memref<1000000x32xf32, #tpu.memory_space<hbm>> -> memref<1000000x32xf32, #tpu.memory_space<hbm>>
        tpu.enqueue_indirect_dma source(%dma_start3A_479 : memref<1000000x32xf32, #tpu.memory_space<hbm>>) target(%dma_start3A_475 : memref<128x32xf32, #tpu.memory_space<vmem>>) offsets(%dma_start3A_476 : memref<128xi32, #tpu.memory_space<vmem>>) semaphore(%arg14 : memref<!tpu.dma_semaphore, #tpu.memory_space<semaphore_mem>>)
        %dma_start3A_480 = arith.constant 256 : i32
        %dma_start3A_481 = arith.constant 0 : i32
        %dma_start3A_482 = tpu.memref_slice %arg9[%dma_start3A_480, %dma_start3A_481] : memref<640x32xf32, #tpu.memory_space<vmem>> -> memref<128x32xf32, #tpu.memory_space<vmem>>
        %dma_start3A_483 = tpu.memref_slice %arg7[%add3A_423] : memref<5120xi32, #tpu.memory_space<vmem>> -> memref<128xi32, #tpu.memory_space<vmem>>
        %dma_start3A_484 = arith.constant 0 : i32
        %dma_start3A_485 = arith.constant 0 : i32
        %dma_start3A_486 = tpu.memref_slice %arg4[%dma_start3A_484, %dma_start3A_485] : memref<1000000x32xf32, #tpu.memory_space<hbm>> -> memref<1000000x32xf32, #tpu.memory_space<hbm>>
        tpu.enqueue_indirect_dma source(%dma_start3A_486 : memref<1000000x32xf32, #tpu.memory_space<hbm>>) target(%dma_start3A_482 : memref<128x32xf32, #tpu.memory_space<vmem>>) offsets(%dma_start3A_483 : memref<128xi32, #tpu.memory_space<vmem>>) semaphore(%arg14 : memref<!tpu.dma_semaphore, #tpu.memory_space<semaphore_mem>>)
        %dma_start3A_487 = arith.constant 384 : i32
        %dma_start3A_488 = arith.constant 0 : i32
        %dma_start3A_489 = tpu.memref_slice %arg9[%dma_start3A_487, %dma_start3A_488] : memref<640x32xf32, #tpu.memory_space<vmem>> -> memref<128x32xf32, #tpu.memory_space<vmem>>
        %dma_start3A_490 = tpu.memref_slice %arg7[%add3A_429] : memref<5120xi32, #tpu.memory_space<vmem>> -> memref<128xi32, #tpu.memory_space<vmem>>
        %dma_start3A_491 = arith.constant 0 : i32
        %dma_start3A_492 = arith.constant 0 : i32
        %dma_start3A_493 = tpu.memref_slice %arg4[%dma_start3A_491, %dma_start3A_492] : memref<1000000x32xf32, #tpu.memory_space<hbm>> -> memref<1000000x32xf32, #tpu.memory_space<hbm>>
        tpu.enqueue_indirect_dma source(%dma_start3A_493 : memref<1000000x32xf32, #tpu.memory_space<hbm>>) target(%dma_start3A_489 : memref<128x32xf32, #tpu.memory_space<vmem>>) offsets(%dma_start3A_490 : memref<128xi32, #tpu.memory_space<vmem>>) semaphore(%arg14 : memref<!tpu.dma_semaphore, #tpu.memory_space<semaphore_mem>>)
        %dma_start3A_494 = arith.constant 512 : i32
        %dma_start3A_495 = arith.constant 0 : i32
        %dma_start3A_496 = tpu.memref_slice %arg9[%dma_start3A_494, %dma_start3A_495] : memref<640x32xf32, #tpu.memory_space<vmem>> -> memref<128x32xf32, #tpu.memory_space<vmem>>
        %dma_start3A_497 = tpu.memref_slice %arg7[%add3A_435] : memref<5120xi32, #tpu.memory_space<vmem>> -> memref<128xi32, #tpu.memory_space<vmem>>
        %dma_start3A_498 = arith.constant 0 : i32
        %dma_start3A_499 = arith.constant 0 : i32
        %dma_start3A_500 = tpu.memref_slice %arg4[%dma_start3A_498, %dma_start3A_499] : memref<1000000x32xf32, #tpu.memory_space<hbm>> -> memref<1000000x32xf32, #tpu.memory_space<hbm>>
        tpu.enqueue_indirect_dma source(%dma_start3A_500 : memref<1000000x32xf32, #tpu.memory_space<hbm>>) target(%dma_start3A_496 : memref<128x32xf32, #tpu.memory_space<vmem>>) offsets(%dma_start3A_497 : memref<128xi32, #tpu.memory_space<vmem>>) semaphore(%arg14 : memref<!tpu.dma_semaphore, #tpu.memory_space<semaphore_mem>>)
        %dma_start3A_501 = arith.constant 0 : i32
        %dma_start3A_502 = arith.constant 0 : i32
        %dma_start3A_503 = tpu.memref_slice %arg11[%dma_start3A_501, %dma_start3A_502] : memref<320x32xf32, #tpu.memory_space<vmem>> -> memref<64x32xf32, #tpu.memory_space<vmem>>
        %dma_start3A_504 = tpu.memref_slice %arg8[%add3A_441] : memref<2560xi32, #tpu.memory_space<vmem>> -> memref<64xi32, #tpu.memory_space<vmem>>
        %dma_start3A_505 = arith.constant 0 : i32
        %dma_start3A_506 = arith.constant 0 : i32
        %dma_start3A_507 = tpu.memref_slice %arg5[%dma_start3A_505, %dma_start3A_506] : memref<1000000x32xf32, #tpu.memory_space<hbm>> -> memref<1000000x32xf32, #tpu.memory_space<hbm>>
        tpu.enqueue_indirect_dma source(%dma_start3A_507 : memref<1000000x32xf32, #tpu.memory_space<hbm>>) target(%dma_start3A_503 : memref<64x32xf32, #tpu.memory_space<vmem>>) offsets(%dma_start3A_504 : memref<64xi32, #tpu.memory_space<vmem>>) semaphore(%arg14 : memref<!tpu.dma_semaphore, #tpu.memory_space<semaphore_mem>>)
        %dma_start3A_508 = arith.constant 64 : i32
        %dma_start3A_509 = arith.constant 0 : i32
        %dma_start3A_510 = tpu.memref_slice %arg11[%dma_start3A_508, %dma_start3A_509] : memref<320x32xf32, #tpu.memory_space<vmem>> -> memref<64x32xf32, #tpu.memory_space<vmem>>
        %dma_start3A_511 = tpu.memref_slice %arg8[%add3A_447] : memref<2560xi32, #tpu.memory_space<vmem>> -> memref<64xi32, #tpu.memory_space<vmem>>
        %dma_start3A_512 = arith.constant 0 : i32
        %dma_start3A_513 = arith.constant 0 : i32
        %dma_start3A_514 = tpu.memref_slice %arg5[%dma_start3A_512, %dma_start3A_513] : memref<1000000x32xf32, #tpu.memory_space<hbm>> -> memref<1000000x32xf32, #tpu.memory_space<hbm>>
        tpu.enqueue_indirect_dma source(%dma_start3A_514 : memref<1000000x32xf32, #tpu.memory_space<hbm>>) target(%dma_start3A_510 : memref<64x32xf32, #tpu.memory_space<vmem>>) offsets(%dma_start3A_511 : memref<64xi32, #tpu.memory_space<vmem>>) semaphore(%arg14 : memref<!tpu.dma_semaphore, #tpu.memory_space<semaphore_mem>>)
        %dma_start3A_515 = arith.constant 128 : i32
        %dma_start3A_516 = arith.constant 0 : i32
        %dma_start3A_517 = tpu.memref_slice %arg11[%dma_start3A_515, %dma_start3A_516] : memref<320x32xf32, #tpu.memory_space<vmem>> -> memref<64x32xf32, #tpu.memory_space<vmem>>
        %dma_start3A_518 = tpu.memref_slice %arg8[%add3A_453] : memref<2560xi32, #tpu.memory_space<vmem>> -> memref<64xi32, #tpu.memory_space<vmem>>
        %dma_start3A_519 = arith.constant 0 : i32
        %dma_start3A_520 = arith.constant 0 : i32
        %dma_start3A_521 = tpu.memref_slice %arg5[%dma_start3A_519, %dma_start3A_520] : memref<1000000x32xf32, #tpu.memory_space<hbm>> -> memref<1000000x32xf32, #tpu.memory_space<hbm>>
        tpu.enqueue_indirect_dma source(%dma_start3A_521 : memref<1000000x32xf32, #tpu.memory_space<hbm>>) target(%dma_start3A_517 : memref<64x32xf32, #tpu.memory_space<vmem>>) offsets(%dma_start3A_518 : memref<64xi32, #tpu.memory_space<vmem>>) semaphore(%arg14 : memref<!tpu.dma_semaphore, #tpu.memory_space<semaphore_mem>>)
        %dma_start3A_522 = arith.constant 192 : i32
        %dma_start3A_523 = arith.constant 0 : i32
        %dma_start3A_524 = tpu.memref_slice %arg11[%dma_start3A_522, %dma_start3A_523] : memref<320x32xf32, #tpu.memory_space<vmem>> -> memref<64x32xf32, #tpu.memory_space<vmem>>
        %dma_start3A_525 = tpu.memref_slice %arg8[%add3A_459] : memref<2560xi32, #tpu.memory_space<vmem>> -> memref<64xi32, #tpu.memory_space<vmem>>
        %dma_start3A_526 = arith.constant 0 : i32
        %dma_start3A_527 = arith.constant 0 : i32
        %dma_start3A_528 = tpu.memref_slice %arg5[%dma_start3A_526, %dma_start3A_527] : memref<1000000x32xf32, #tpu.memory_space<hbm>> -> memref<1000000x32xf32, #tpu.memory_space<hbm>>
        tpu.enqueue_indirect_dma source(%dma_start3A_528 : memref<1000000x32xf32, #tpu.memory_space<hbm>>) target(%dma_start3A_524 : memref<64x32xf32, #tpu.memory_space<vmem>>) offsets(%dma_start3A_525 : memref<64xi32, #tpu.memory_space<vmem>>) semaphore(%arg14 : memref<!tpu.dma_semaphore, #tpu.memory_space<semaphore_mem>>)
        %dma_start3A_529 = arith.constant 256 : i32
        %dma_start3A_530 = arith.constant 0 : i32
        %dma_start3A_531 = tpu.memref_slice %arg11[%dma_start3A_529, %dma_start3A_530] : memref<320x32xf32, #tpu.memory_space<vmem>> -> memref<64x32xf32, #tpu.memory_space<vmem>>
        %dma_start3A_532 = tpu.memref_slice %arg8[%add3A_465] : memref<2560xi32, #tpu.memory_space<vmem>> -> memref<64xi32, #tpu.memory_space<vmem>>
        %dma_start3A_533 = arith.constant 0 : i32
        %dma_start3A_534 = arith.constant 0 : i32
        %dma_start3A_535 = tpu.memref_slice %arg5[%dma_start3A_533, %dma_start3A_534] : memref<1000000x32xf32, #tpu.memory_space<hbm>> -> memref<1000000x32xf32, #tpu.memory_space<hbm>>
        tpu.enqueue_indirect_dma source(%dma_start3A_535 : memref<1000000x32xf32, #tpu.memory_space<hbm>>) target(%dma_start3A_531 : memref<64x32xf32, #tpu.memory_space<vmem>>) offsets(%dma_start3A_532 : memref<64xi32, #tpu.memory_space<vmem>>) semaphore(%arg14 : memref<!tpu.dma_semaphore, #tpu.memory_space<semaphore_mem>>)
      } else {
      }
      %mul3A_257 = arith.constant 64 : i32
      %mul3A_258 = arith.muli %add3A_249, %mul3A_257 : i32
      %mul3A_259 = arith.constant 10 : i32
      %mul3A_260 = arith.muli %mul3A_258, %mul3A_259 : i32
      %add3A_261 = arith.constant 0 : i32
      %add3A_262 = arith.addi %mul3A_260, %add3A_261 : i32
      %mul3A_263 = arith.constant 64 : i32
      %mul3A_264 = arith.muli %add3A_249, %mul3A_263 : i32
      %mul3A_265 = arith.constant 10 : i32
      %mul3A_266 = arith.muli %mul3A_264, %mul3A_265 : i32
      %add3A_267 = arith.constant 128 : i32
      %add3A_268 = arith.addi %mul3A_266, %add3A_267 : i32
      %mul3A_269 = arith.constant 64 : i32
      %mul3A_270 = arith.muli %add3A_249, %mul3A_269 : i32
      %mul3A_271 = arith.constant 10 : i32
      %mul3A_272 = arith.muli %mul3A_270, %mul3A_271 : i32
      %add3A_273 = arith.constant 256 : i32
      %add3A_274 = arith.addi %mul3A_272, %add3A_273 : i32
      %mul3A_275 = arith.constant 64 : i32
      %mul3A_276 = arith.muli %add3A_249, %mul3A_275 : i32
      %mul3A_277 = arith.constant 10 : i32
      %mul3A_278 = arith.muli %mul3A_276, %mul3A_277 : i32
      %add3A_279 = arith.constant 384 : i32
      %add3A_280 = arith.addi %mul3A_278, %add3A_279 : i32
      %mul3A_281 = arith.constant 64 : i32
      %mul3A_282 = arith.muli %add3A_249, %mul3A_281 : i32
      %mul3A_283 = arith.constant 10 : i32
      %mul3A_284 = arith.muli %mul3A_282, %mul3A_283 : i32
      %add3A_285 = arith.constant 512 : i32
      %add3A_286 = arith.addi %mul3A_284, %add3A_285 : i32
      %mul3A_287 = arith.constant 64 : i32
      %mul3A_288 = arith.muli %add3A_249, %mul3A_287 : i32
      %mul3A_289 = arith.constant 5 : i32
      %mul3A_290 = arith.muli %mul3A_288, %mul3A_289 : i32
      %add3A_291 = arith.constant 0 : i32
      %add3A_292 = arith.addi %mul3A_290, %add3A_291 : i32
      %mul3A_293 = arith.constant 64 : i32
      %mul3A_294 = arith.muli %add3A_249, %mul3A_293 : i32
      %mul3A_295 = arith.constant 5 : i32
      %mul3A_296 = arith.muli %mul3A_294, %mul3A_295 : i32
      %add3A_297 = arith.constant 64 : i32
      %add3A_298 = arith.addi %mul3A_296, %add3A_297 : i32
      %mul3A_299 = arith.constant 64 : i32
      %mul3A_300 = arith.muli %add3A_249, %mul3A_299 : i32
      %mul3A_301 = arith.constant 5 : i32
      %mul3A_302 = arith.muli %mul3A_300, %mul3A_301 : i32
      %add3A_303 = arith.constant 128 : i32
      %add3A_304 = arith.addi %mul3A_302, %add3A_303 : i32
      %mul3A_305 = arith.constant 64 : i32
      %mul3A_306 = arith.muli %add3A_249, %mul3A_305 : i32
      %mul3A_307 = arith.constant 5 : i32
      %mul3A_308 = arith.muli %mul3A_306, %mul3A_307 : i32
      %add3A_309 = arith.constant 192 : i32
      %add3A_310 = arith.addi %mul3A_308, %add3A_309 : i32
      %mul3A_311 = arith.constant 64 : i32
      %mul3A_312 = arith.muli %add3A_249, %mul3A_311 : i32
      %mul3A_313 = arith.constant 5 : i32
      %mul3A_314 = arith.muli %mul3A_312, %mul3A_313 : i32
      %add3A_315 = arith.constant 256 : i32
      %add3A_316 = arith.addi %mul3A_314, %add3A_315 : i32
      %dma_wait3A_317 = arith.constant 0 : i32
      %dma_wait3A_318 = arith.constant 0 : i32
      %dma_wait3A_319 = tpu.memref_slice %arg10[%dma_wait3A_317, %dma_wait3A_318] : memref<640x32xf32, #tpu.memory_space<vmem>> -> memref<128x32xf32, #tpu.memory_space<vmem>>
      %dma_wait3A_320 = tpu.memref_slice %arg7[%add3A_262] : memref<5120xi32, #tpu.memory_space<vmem>> -> memref<128xi32, #tpu.memory_space<vmem>>
      %dma_wait3A_321 = arith.constant 0 : i32
      %dma_wait3A_322 = arith.constant 0 : i32
      %dma_wait3A_323 = tpu.memref_slice %arg4[%dma_wait3A_321, %dma_wait3A_322] : memref<1000000x32xf32, #tpu.memory_space<hbm>> -> memref<1000000x32xf32, #tpu.memory_space<hbm>>
      tpu.wait_indirect_dma semaphore(%arg15 : memref<!tpu.dma_semaphore, #tpu.memory_space<semaphore_mem>>) src(%dma_wait3A_323 : memref<1000000x32xf32, #tpu.memory_space<hbm>>) dst(%dma_wait3A_319 : memref<128x32xf32, #tpu.memory_space<vmem>>)
      %dma_wait3A_324 = arith.constant 128 : i32
      %dma_wait3A_325 = arith.constant 0 : i32
      %dma_wait3A_326 = tpu.memref_slice %arg10[%dma_wait3A_324, %dma_wait3A_325] : memref<640x32xf32, #tpu.memory_space<vmem>> -> memref<128x32xf32, #tpu.memory_space<vmem>>
      %dma_wait3A_327 = tpu.memref_slice %arg7[%add3A_268] : memref<5120xi32, #tpu.memory_space<vmem>> -> memref<128xi32, #tpu.memory_space<vmem>>
      %dma_wait3A_328 = arith.constant 0 : i32
      %dma_wait3A_329 = arith.constant 0 : i32
      %dma_wait3A_330 = tpu.memref_slice %arg4[%dma_wait3A_328, %dma_wait3A_329] : memref<1000000x32xf32, #tpu.memory_space<hbm>> -> memref<1000000x32xf32, #tpu.memory_space<hbm>>
      tpu.wait_indirect_dma semaphore(%arg15 : memref<!tpu.dma_semaphore, #tpu.memory_space<semaphore_mem>>) src(%dma_wait3A_330 : memref<1000000x32xf32, #tpu.memory_space<hbm>>) dst(%dma_wait3A_326 : memref<128x32xf32, #tpu.memory_space<vmem>>)
      %dma_wait3A_331 = arith.constant 256 : i32
      %dma_wait3A_332 = arith.constant 0 : i32
      %dma_wait3A_333 = tpu.memref_slice %arg10[%dma_wait3A_331, %dma_wait3A_332] : memref<640x32xf32, #tpu.memory_space<vmem>> -> memref<128x32xf32, #tpu.memory_space<vmem>>
      %dma_wait3A_334 = tpu.memref_slice %arg7[%add3A_274] : memref<5120xi32, #tpu.memory_space<vmem>> -> memref<128xi32, #tpu.memory_space<vmem>>
      %dma_wait3A_335 = arith.constant 0 : i32
      %dma_wait3A_336 = arith.constant 0 : i32
      %dma_wait3A_337 = tpu.memref_slice %arg4[%dma_wait3A_335, %dma_wait3A_336] : memref<1000000x32xf32, #tpu.memory_space<hbm>> -> memref<1000000x32xf32, #tpu.memory_space<hbm>>
      tpu.wait_indirect_dma semaphore(%arg15 : memref<!tpu.dma_semaphore, #tpu.memory_space<semaphore_mem>>) src(%dma_wait3A_337 : memref<1000000x32xf32, #tpu.memory_space<hbm>>) dst(%dma_wait3A_333 : memref<128x32xf32, #tpu.memory_space<vmem>>)
      %dma_wait3A_338 = arith.constant 384 : i32
      %dma_wait3A_339 = arith.constant 0 : i32
      %dma_wait3A_340 = tpu.memref_slice %arg10[%dma_wait3A_338, %dma_wait3A_339] : memref<640x32xf32, #tpu.memory_space<vmem>> -> memref<128x32xf32, #tpu.memory_space<vmem>>
      %dma_wait3A_341 = tpu.memref_slice %arg7[%add3A_280] : memref<5120xi32, #tpu.memory_space<vmem>> -> memref<128xi32, #tpu.memory_space<vmem>>
      %dma_wait3A_342 = arith.constant 0 : i32
      %dma_wait3A_343 = arith.constant 0 : i32
      %dma_wait3A_344 = tpu.memref_slice %arg4[%dma_wait3A_342, %dma_wait3A_343] : memref<1000000x32xf32, #tpu.memory_space<hbm>> -> memref<1000000x32xf32, #tpu.memory_space<hbm>>
      tpu.wait_indirect_dma semaphore(%arg15 : memref<!tpu.dma_semaphore, #tpu.memory_space<semaphore_mem>>) src(%dma_wait3A_344 : memref<1000000x32xf32, #tpu.memory_space<hbm>>) dst(%dma_wait3A_340 : memref<128x32xf32, #tpu.memory_space<vmem>>)
      %dma_wait3A_345 = arith.constant 512 : i32
      %dma_wait3A_346 = arith.constant 0 : i32
      %dma_wait3A_347 = tpu.memref_slice %arg10[%dma_wait3A_345, %dma_wait3A_346] : memref<640x32xf32, #tpu.memory_space<vmem>> -> memref<128x32xf32, #tpu.memory_space<vmem>>
      %dma_wait3A_348 = tpu.memref_slice %arg7[%add3A_286] : memref<5120xi32, #tpu.memory_space<vmem>> -> memref<128xi32, #tpu.memory_space<vmem>>
      %dma_wait3A_349 = arith.constant 0 : i32
      %dma_wait3A_350 = arith.constant 0 : i32
      %dma_wait3A_351 = tpu.memref_slice %arg4[%dma_wait3A_349, %dma_wait3A_350] : memref<1000000x32xf32, #tpu.memory_space<hbm>> -> memref<1000000x32xf32, #tpu.memory_space<hbm>>
      tpu.wait_indirect_dma semaphore(%arg15 : memref<!tpu.dma_semaphore, #tpu.memory_space<semaphore_mem>>) src(%dma_wait3A_351 : memref<1000000x32xf32, #tpu.memory_space<hbm>>) dst(%dma_wait3A_347 : memref<128x32xf32, #tpu.memory_space<vmem>>)
      %dma_wait3A_352 = arith.constant 0 : i32
      %dma_wait3A_353 = arith.constant 0 : i32
      %dma_wait3A_354 = tpu.memref_slice %arg12[%dma_wait3A_352, %dma_wait3A_353] : memref<320x32xf32, #tpu.memory_space<vmem>> -> memref<64x32xf32, #tpu.memory_space<vmem>>
      %dma_wait3A_355 = tpu.memref_slice %arg8[%add3A_292] : memref<2560xi32, #tpu.memory_space<vmem>> -> memref<64xi32, #tpu.memory_space<vmem>>
      %dma_wait3A_356 = arith.constant 0 : i32
      %dma_wait3A_357 = arith.constant 0 : i32
      %dma_wait3A_358 = tpu.memref_slice %arg5[%dma_wait3A_356, %dma_wait3A_357] : memref<1000000x32xf32, #tpu.memory_space<hbm>> -> memref<1000000x32xf32, #tpu.memory_space<hbm>>
      tpu.wait_indirect_dma semaphore(%arg15 : memref<!tpu.dma_semaphore, #tpu.memory_space<semaphore_mem>>) src(%dma_wait3A_358 : memref<1000000x32xf32, #tpu.memory_space<hbm>>) dst(%dma_wait3A_354 : memref<64x32xf32, #tpu.memory_space<vmem>>)
      %dma_wait3A_359 = arith.constant 64 : i32
      %dma_wait3A_360 = arith.constant 0 : i32
      %dma_wait3A_361 = tpu.memref_slice %arg12[%dma_wait3A_359, %dma_wait3A_360] : memref<320x32xf32, #tpu.memory_space<vmem>> -> memref<64x32xf32, #tpu.memory_space<vmem>>
      %dma_wait3A_362 = tpu.memref_slice %arg8[%add3A_298] : memref<2560xi32, #tpu.memory_space<vmem>> -> memref<64xi32, #tpu.memory_space<vmem>>
      %dma_wait3A_363 = arith.constant 0 : i32
      %dma_wait3A_364 = arith.constant 0 : i32
      %dma_wait3A_365 = tpu.memref_slice %arg5[%dma_wait3A_363, %dma_wait3A_364] : memref<1000000x32xf32, #tpu.memory_space<hbm>> -> memref<1000000x32xf32, #tpu.memory_space<hbm>>
      tpu.wait_indirect_dma semaphore(%arg15 : memref<!tpu.dma_semaphore, #tpu.memory_space<semaphore_mem>>) src(%dma_wait3A_365 : memref<1000000x32xf32, #tpu.memory_space<hbm>>) dst(%dma_wait3A_361 : memref<64x32xf32, #tpu.memory_space<vmem>>)
      %dma_wait3A_366 = arith.constant 128 : i32
      %dma_wait3A_367 = arith.constant 0 : i32
      %dma_wait3A_368 = tpu.memref_slice %arg12[%dma_wait3A_366, %dma_wait3A_367] : memref<320x32xf32, #tpu.memory_space<vmem>> -> memref<64x32xf32, #tpu.memory_space<vmem>>
      %dma_wait3A_369 = tpu.memref_slice %arg8[%add3A_304] : memref<2560xi32, #tpu.memory_space<vmem>> -> memref<64xi32, #tpu.memory_space<vmem>>
      %dma_wait3A_370 = arith.constant 0 : i32
      %dma_wait3A_371 = arith.constant 0 : i32
      %dma_wait3A_372 = tpu.memref_slice %arg5[%dma_wait3A_370, %dma_wait3A_371] : memref<1000000x32xf32, #tpu.memory_space<hbm>> -> memref<1000000x32xf32, #tpu.memory_space<hbm>>
      tpu.wait_indirect_dma semaphore(%arg15 : memref<!tpu.dma_semaphore, #tpu.memory_space<semaphore_mem>>) src(%dma_wait3A_372 : memref<1000000x32xf32, #tpu.memory_space<hbm>>) dst(%dma_wait3A_368 : memref<64x32xf32, #tpu.memory_space<vmem>>)
      %dma_wait3A_373 = arith.constant 192 : i32
      %dma_wait3A_374 = arith.constant 0 : i32
      %dma_wait3A_375 = tpu.memref_slice %arg12[%dma_wait3A_373, %dma_wait3A_374] : memref<320x32xf32, #tpu.memory_space<vmem>> -> memref<64x32xf32, #tpu.memory_space<vmem>>
      %dma_wait3A_376 = tpu.memref_slice %arg8[%add3A_310] : memref<2560xi32, #tpu.memory_space<vmem>> -> memref<64xi32, #tpu.memory_space<vmem>>
      %dma_wait3A_377 = arith.constant 0 : i32
      %dma_wait3A_378 = arith.constant 0 : i32
      %dma_wait3A_379 = tpu.memref_slice %arg5[%dma_wait3A_377, %dma_wait3A_378] : memref<1000000x32xf32, #tpu.memory_space<hbm>> -> memref<1000000x32xf32, #tpu.memory_space<hbm>>
      tpu.wait_indirect_dma semaphore(%arg15 : memref<!tpu.dma_semaphore, #tpu.memory_space<semaphore_mem>>) src(%dma_wait3A_379 : memref<1000000x32xf32, #tpu.memory_space<hbm>>) dst(%dma_wait3A_375 : memref<64x32xf32, #tpu.memory_space<vmem>>)
      %dma_wait3A_380 = arith.constant 256 : i32
      %dma_wait3A_381 = arith.constant 0 : i32
      %dma_wait3A_382 = tpu.memref_slice %arg12[%dma_wait3A_380, %dma_wait3A_381] : memref<320x32xf32, #tpu.memory_space<vmem>> -> memref<64x32xf32, #tpu.memory_space<vmem>>
      %dma_wait3A_383 = tpu.memref_slice %arg8[%add3A_316] : memref<2560xi32, #tpu.memory_space<vmem>> -> memref<64xi32, #tpu.memory_space<vmem>>
      %dma_wait3A_384 = arith.constant 0 : i32
      %dma_wait3A_385 = arith.constant 0 : i32
      %dma_wait3A_386 = tpu.memref_slice %arg5[%dma_wait3A_384, %dma_wait3A_385] : memref<1000000x32xf32, #tpu.memory_space<hbm>> -> memref<1000000x32xf32, #tpu.memory_space<hbm>>
      tpu.wait_indirect_dma semaphore(%arg15 : memref<!tpu.dma_semaphore, #tpu.memory_space<semaphore_mem>>) src(%dma_wait3A_386 : memref<1000000x32xf32, #tpu.memory_space<hbm>>) dst(%dma_wait3A_382 : memref<64x32xf32, #tpu.memory_space<vmem>>)
      %iota3A_387 = tpu.iota {dimensions = array<i32: 0>} : vector<16xi32>
      %eq3A_388 = arith.constant 15 : i32
      %eq3A_389 = vector.broadcast %eq3A_388 : i32 to vector<16xi32>
      %eq3A_390 = arith.cmpi eq, %iota3A_387, %eq3A_389 : vector<16xi32>
      %scan3A_391 = arith.constant 0 : i32
      %scan3A_392 = arith.constant 0 : i32
      %scan3A_393 = arith.constant 64 : i32
      %scan3A_394 = arith.addi %scan3A_392, %scan3A_393 : i32
      %scan3A_395 = arith.constant 1 : i32
      scf.for %scan3A_404 = %scan3A_392 to %scan3A_394 step %scan3A_395  : i32 {
        %mul3A_405 = arith.constant 10 : i32
        %mul3A_406 = arith.muli %scan3A_404, %mul3A_405 : i32
        %get3A = arith.index_cast %mul3A_406 : i32 to index
        %get3A_407 = arith.constant 0 : index
        %get3A_408 = tpu.vector_load %arg10[%get3A, %get3A_407] {strides = array<i32>} : memref<640x32xf32, #tpu.memory_space<vmem>>, vector<16xf32>,
        %get3A_409 = arith.index_cast %mul3A_406 : i32 to index
        %get3A_410 = arith.constant 16 : index
        %get3A_411 = tpu.vector_load %arg10[%get3A_409, %get3A_410] {strides = array<i32>} : memref<640x32xf32, #tpu.memory_space<vmem>>, vector<16xf32>,
        %add3A_412 = arith.constant 1 : i32
        %add3A_413 = arith.addi %mul3A_406, %add3A_412 : i32
        %get3A_414 = arith.index_cast %add3A_413 : i32 to index
        %get3A_415 = arith.constant 0 : index
        %get3A_416 = tpu.vector_load %arg10[%get3A_414, %get3A_415] {strides = array<i32>} : memref<640x32xf32, #tpu.memory_space<vmem>>, vector<16xf32>,
        %add3A_417 = arith.addf %get3A_408, %get3A_416 : vector<16xf32>
        %add3A_418 = arith.constant 1 : i32
        %add3A_419 = arith.addi %mul3A_406, %add3A_418 : i32
        %get3A_420 = arith.index_cast %add3A_419 : i32 to index
        %get3A_421 = arith.constant 16 : index
        %get3A_422 = tpu.vector_load %arg10[%get3A_420, %get3A_421] {strides = array<i32>} : memref<640x32xf32, #tpu.memory_space<vmem>>, vector<16xf32>,
        %add3A_423 = arith.addf %get3A_411, %get3A_422 : vector<16xf32>
        %add3A_424 = arith.constant 2 : i32
        %add3A_425 = arith.addi %mul3A_406, %add3A_424 : i32
        %get3A_426 = arith.index_cast %add3A_425 : i32 to index
        %get3A_427 = arith.constant 0 : index
        %get3A_428 = tpu.vector_load %arg10[%get3A_426, %get3A_427] {strides = array<i32>} : memref<640x32xf32, #tpu.memory_space<vmem>>, vector<16xf32>,
        %add3A_429 = arith.addf %add3A_417, %get3A_428 : vector<16xf32>
        %add3A_430 = arith.constant 2 : i32
        %add3A_431 = arith.addi %mul3A_406, %add3A_430 : i32
        %get3A_432 = arith.index_cast %add3A_431 : i32 to index
        %get3A_433 = arith.constant 16 : index
        %get3A_434 = tpu.vector_load %arg10[%get3A_432, %get3A_433] {strides = array<i32>} : memref<640x32xf32, #tpu.memory_space<vmem>>, vector<16xf32>,
        %add3A_435 = arith.addf %add3A_423, %get3A_434 : vector<16xf32>
        %add3A_436 = arith.constant 3 : i32
        %add3A_437 = arith.addi %mul3A_406, %add3A_436 : i32
        %get3A_438 = arith.index_cast %add3A_437 : i32 to index
        %get3A_439 = arith.constant 0 : index
        %get3A_440 = tpu.vector_load %arg10[%get3A_438, %get3A_439] {strides = array<i32>} : memref<640x32xf32, #tpu.memory_space<vmem>>, vector<16xf32>,
        %add3A_441 = arith.addf %add3A_429, %get3A_440 : vector<16xf32>
        %add3A_442 = arith.constant 3 : i32
        %add3A_443 = arith.addi %mul3A_406, %add3A_442 : i32
        %get3A_444 = arith.index_cast %add3A_443 : i32 to index
        %get3A_445 = arith.constant 16 : index
        %get3A_446 = tpu.vector_load %arg10[%get3A_444, %get3A_445] {strides = array<i32>} : memref<640x32xf32, #tpu.memory_space<vmem>>, vector<16xf32>,
        %add3A_447 = arith.addf %add3A_435, %get3A_446 : vector<16xf32>
        %add3A_448 = arith.constant 4 : i32
        %add3A_449 = arith.addi %mul3A_406, %add3A_448 : i32
        %get3A_450 = arith.index_cast %add3A_449 : i32 to index
        %get3A_451 = arith.constant 0 : index
        %get3A_452 = tpu.vector_load %arg10[%get3A_450, %get3A_451] {strides = array<i32>} : memref<640x32xf32, #tpu.memory_space<vmem>>, vector<16xf32>,
        %add3A_453 = arith.addf %add3A_441, %get3A_452 : vector<16xf32>
        %add3A_454 = arith.constant 4 : i32
        %add3A_455 = arith.addi %mul3A_406, %add3A_454 : i32
        %get3A_456 = arith.index_cast %add3A_455 : i32 to index
        %get3A_457 = arith.constant 16 : index
        %get3A_458 = tpu.vector_load %arg10[%get3A_456, %get3A_457] {strides = array<i32>} : memref<640x32xf32, #tpu.memory_space<vmem>>, vector<16xf32>,
        %add3A_459 = arith.addf %add3A_447, %get3A_458 : vector<16xf32>
        %add3A_460 = arith.constant 5 : i32
        %add3A_461 = arith.addi %mul3A_406, %add3A_460 : i32
        %get3A_462 = arith.index_cast %add3A_461 : i32 to index
        %get3A_463 = arith.constant 0 : index
        %get3A_464 = tpu.vector_load %arg10[%get3A_462, %get3A_463] {strides = array<i32>} : memref<640x32xf32, #tpu.memory_space<vmem>>, vector<16xf32>,
        %add3A_465 = arith.addf %add3A_453, %get3A_464 : vector<16xf32>
        %add3A_466 = arith.constant 5 : i32
        %add3A_467 = arith.addi %mul3A_406, %add3A_466 : i32
        %get3A_468 = arith.index_cast %add3A_467 : i32 to index
        %get3A_469 = arith.constant 16 : index
        %get3A_470 = tpu.vector_load %arg10[%get3A_468, %get3A_469] {strides = array<i32>} : memref<640x32xf32, #tpu.memory_space<vmem>>, vector<16xf32>,
        %add3A_471 = arith.addf %add3A_459, %get3A_470 : vector<16xf32>
        %add3A_472 = arith.constant 6 : i32
        %add3A_473 = arith.addi %mul3A_406, %add3A_472 : i32
        %get3A_474 = arith.index_cast %add3A_473 : i32 to index
        %get3A_475 = arith.constant 0 : index
        %get3A_476 = tpu.vector_load %arg10[%get3A_474, %get3A_475] {strides = array<i32>} : memref<640x32xf32, #tpu.memory_space<vmem>>, vector<16xf32>,
        %add3A_477 = arith.addf %add3A_465, %get3A_476 : vector<16xf32>
        %add3A_478 = arith.constant 6 : i32
        %add3A_479 = arith.addi %mul3A_406, %add3A_478 : i32
        %get3A_480 = arith.index_cast %add3A_479 : i32 to index
        %get3A_481 = arith.constant 16 : index
        %get3A_482 = tpu.vector_load %arg10[%get3A_480, %get3A_481] {strides = array<i32>} : memref<640x32xf32, #tpu.memory_space<vmem>>, vector<16xf32>,
        %add3A_483 = arith.addf %add3A_471, %get3A_482 : vector<16xf32>
        %add3A_484 = arith.constant 7 : i32
        %add3A_485 = arith.addi %mul3A_406, %add3A_484 : i32
        %get3A_486 = arith.index_cast %add3A_485 : i32 to index
        %get3A_487 = arith.constant 0 : index
        %get3A_488 = tpu.vector_load %arg10[%get3A_486, %get3A_487] {strides = array<i32>} : memref<640x32xf32, #tpu.memory_space<vmem>>, vector<16xf32>,
        %add3A_489 = arith.addf %add3A_477, %get3A_488 : vector<16xf32>
        %add3A_490 = arith.constant 7 : i32
        %add3A_491 = arith.addi %mul3A_406, %add3A_490 : i32
        %get3A_492 = arith.index_cast %add3A_491 : i32 to index
        %get3A_493 = arith.constant 16 : index
        %get3A_494 = tpu.vector_load %arg10[%get3A_492, %get3A_493] {strides = array<i32>} : memref<640x32xf32, #tpu.memory_space<vmem>>, vector<16xf32>,
        %add3A_495 = arith.addf %add3A_483, %get3A_494 : vector<16xf32>
        %add3A_496 = arith.constant 8 : i32
        %add3A_497 = arith.addi %mul3A_406, %add3A_496 : i32
        %get3A_498 = arith.index_cast %add3A_497 : i32 to index
        %get3A_499 = arith.constant 0 : index
        %get3A_500 = tpu.vector_load %arg10[%get3A_498, %get3A_499] {strides = array<i32>} : memref<640x32xf32, #tpu.memory_space<vmem>>, vector<16xf32>,
        %add3A_501 = arith.addf %add3A_489, %get3A_500 : vector<16xf32>
        %add3A_502 = arith.constant 8 : i32
        %add3A_503 = arith.addi %mul3A_406, %add3A_502 : i32
        %get3A_504 = arith.index_cast %add3A_503 : i32 to index
        %get3A_505 = arith.constant 16 : index
        %get3A_506 = tpu.vector_load %arg10[%get3A_504, %get3A_505] {strides = array<i32>} : memref<640x32xf32, #tpu.memory_space<vmem>>, vector<16xf32>,
        %add3A_507 = arith.addf %add3A_495, %get3A_506 : vector<16xf32>
        %add3A_508 = arith.constant 9 : i32
        %add3A_509 = arith.addi %mul3A_406, %add3A_508 : i32
        %get3A_510 = arith.index_cast %add3A_509 : i32 to index
        %get3A_511 = arith.constant 0 : index
        %get3A_512 = tpu.vector_load %arg10[%get3A_510, %get3A_511] {strides = array<i32>} : memref<640x32xf32, #tpu.memory_space<vmem>>, vector<16xf32>,
        %add3A_513 = arith.addf %add3A_501, %get3A_512 : vector<16xf32>
        %add3A_514 = arith.constant 9 : i32
        %add3A_515 = arith.addi %mul3A_406, %add3A_514 : i32
        %get3A_516 = arith.index_cast %add3A_515 : i32 to index
        %get3A_517 = arith.constant 16 : index
        %get3A_518 = tpu.vector_load %arg10[%get3A_516, %get3A_517] {strides = array<i32>} : memref<640x32xf32, #tpu.memory_space<vmem>>, vector<16xf32>,
        %add3A_519 = arith.addf %add3A_507, %get3A_518 : vector<16xf32>
        %mul3A_520 = arith.constant 5 : i32
        %mul3A_521 = arith.muli %scan3A_404, %mul3A_520 : i32
        %add3A_522 = arith.constant 0 : i32
        %add3A_523 = arith.addi %mul3A_521, %add3A_522 : i32
        %get3A_524 = arith.index_cast %add3A_523 : i32 to index
        %get3A_525 = arith.constant 0 : index
        %get3A_526 = tpu.vector_load %arg12[%get3A_524, %get3A_525] {strides = array<i32>} : memref<320x32xf32, #tpu.memory_space<vmem>>, vector<16xf32>,
        %mul3A_527 = arith.mulf %get3A_526, %add3A_513 : vector<16xf32>
        %add3A_528 = arith.constant 0 : i32
        %add3A_529 = arith.addi %mul3A_521, %add3A_528 : i32
        %get3A_530 = arith.index_cast %add3A_529 : i32 to index
        %get3A_531 = arith.constant 16 : index
        %get3A_532 = tpu.vector_load %arg12[%get3A_530, %get3A_531] {strides = array<i32>} : memref<320x32xf32, #tpu.memory_space<vmem>>, vector<16xf32>,
        %mul3A_533 = arith.mulf %get3A_532, %add3A_519 : vector<16xf32>
        %add3A_534 = arith.addf %mul3A_527, %mul3A_533 : vector<16xf32>
        %broadcast_in_dim3A = arith.constant true
        %broadcast_in_dim3A_535 = vector.broadcast %broadcast_in_dim3A : i1 to vector<16xi1>
        %masked_cumsum3A = tpu.scan <sum>, %add3A_534 masked %broadcast_in_dim3A_535 : vector<16xf32>, vector<16xi1> -> vector<16xf32>
        %add3A_536 = arith.constant 0 : i32
        %add3A_537 = arith.addi %mul3A_521, %add3A_536 : i32
        %broadcast_in_dim3A_538 = vector.broadcast %add3A_537 : i32 to vector<16xi32>
        tpu.vector_store_idx %arg13[%broadcast_in_dim3A_538], %masked_cumsum3A masked %eq3A_390 : memref<320xf32, #tpu.memory_space<vmem>>[vector<16xi32>], vector<16xf32>, vector<16xi1>
        %add3A_539 = arith.constant 1 : i32
        %add3A_540 = arith.addi %mul3A_521, %add3A_539 : i32
        %get3A_541 = arith.index_cast %add3A_540 : i32 to index
        %get3A_542 = arith.constant 0 : index
        %get3A_543 = tpu.vector_load %arg12[%get3A_541, %get3A_542] {strides = array<i32>} : memref<320x32xf32, #tpu.memory_space<vmem>>, vector<16xf32>,
        %mul3A_544 = arith.mulf %get3A_543, %add3A_513 : vector<16xf32>
        %add3A_545 = arith.constant 1 : i32
        %add3A_546 = arith.addi %mul3A_521, %add3A_545 : i32
        %get3A_547 = arith.index_cast %add3A_546 : i32 to index
        %get3A_548 = arith.constant 16 : index
        %get3A_549 = tpu.vector_load %arg12[%get3A_547, %get3A_548] {strides = array<i32>} : memref<320x32xf32, #tpu.memory_space<vmem>>, vector<16xf32>,
        %mul3A_550 = arith.mulf %get3A_549, %add3A_519 : vector<16xf32>
        %add3A_551 = arith.addf %mul3A_544, %mul3A_550 : vector<16xf32>
        %broadcast_in_dim3A_552 = arith.constant true
        %broadcast_in_dim3A_553 = vector.broadcast %broadcast_in_dim3A_552 : i1 to vector<16xi1>
        %masked_cumsum3A_554 = tpu.scan <sum>, %add3A_551 masked %broadcast_in_dim3A_553 : vector<16xf32>, vector<16xi1> -> vector<16xf32>
        %add3A_555 = arith.constant 1 : i32
        %add3A_556 = arith.addi %mul3A_521, %add3A_555 : i32
        %broadcast_in_dim3A_557 = vector.broadcast %add3A_556 : i32 to vector<16xi32>
        tpu.vector_store_idx %arg13[%broadcast_in_dim3A_557], %masked_cumsum3A_554 masked %eq3A_390 : memref<320xf32, #tpu.memory_space<vmem>>[vector<16xi32>], vector<16xf32>, vector<16xi1>
        %add3A_558 = arith.constant 2 : i32
        %add3A_559 = arith.addi %mul3A_521, %add3A_558 : i32
        %get3A_560 = arith.index_cast %add3A_559 : i32 to index
        %get3A_561 = arith.constant 0 : index
        %get3A_562 = tpu.vector_load %arg12[%get3A_560, %get3A_561] {strides = array<i32>} : memref<320x32xf32, #tpu.memory_space<vmem>>, vector<16xf32>,
        %mul3A_563 = arith.mulf %get3A_562, %add3A_513 : vector<16xf32>
        %add3A_564 = arith.constant 2 : i32
        %add3A_565 = arith.addi %mul3A_521, %add3A_564 : i32
        %get3A_566 = arith.index_cast %add3A_565 : i32 to index
        %get3A_567 = arith.constant 16 : index
        %get3A_568 = tpu.vector_load %arg12[%get3A_566, %get3A_567] {strides = array<i32>} : memref<320x32xf32, #tpu.memory_space<vmem>>, vector<16xf32>,
        %mul3A_569 = arith.mulf %get3A_568, %add3A_519 : vector<16xf32>
        %add3A_570 = arith.addf %mul3A_563, %mul3A_569 : vector<16xf32>
        %broadcast_in_dim3A_571 = arith.constant true
        %broadcast_in_dim3A_572 = vector.broadcast %broadcast_in_dim3A_571 : i1 to vector<16xi1>
        %masked_cumsum3A_573 = tpu.scan <sum>, %add3A_570 masked %broadcast_in_dim3A_572 : vector<16xf32>, vector<16xi1> -> vector<16xf32>
        %add3A_574 = arith.constant 2 : i32
        %add3A_575 = arith.addi %mul3A_521, %add3A_574 : i32
        %broadcast_in_dim3A_576 = vector.broadcast %add3A_575 : i32 to vector<16xi32>
        tpu.vector_store_idx %arg13[%broadcast_in_dim3A_576], %masked_cumsum3A_573 masked %eq3A_390 : memref<320xf32, #tpu.memory_space<vmem>>[vector<16xi32>], vector<16xf32>, vector<16xi1>
        %add3A_577 = arith.constant 3 : i32
        %add3A_578 = arith.addi %mul3A_521, %add3A_577 : i32
        %get3A_579 = arith.index_cast %add3A_578 : i32 to index
        %get3A_580 = arith.constant 0 : index
        %get3A_581 = tpu.vector_load %arg12[%get3A_579, %get3A_580] {strides = array<i32>} : memref<320x32xf32, #tpu.memory_space<vmem>>, vector<16xf32>,
        %mul3A_582 = arith.mulf %get3A_581, %add3A_513 : vector<16xf32>
        %add3A_583 = arith.constant 3 : i32
        %add3A_584 = arith.addi %mul3A_521, %add3A_583 : i32
        %get3A_585 = arith.index_cast %add3A_584 : i32 to index
        %get3A_586 = arith.constant 16 : index
        %get3A_587 = tpu.vector_load %arg12[%get3A_585, %get3A_586] {strides = array<i32>} : memref<320x32xf32, #tpu.memory_space<vmem>>, vector<16xf32>,
        %mul3A_588 = arith.mulf %get3A_587, %add3A_519 : vector<16xf32>
        %add3A_589 = arith.addf %mul3A_582, %mul3A_588 : vector<16xf32>
        %broadcast_in_dim3A_590 = arith.constant true
        %broadcast_in_dim3A_591 = vector.broadcast %broadcast_in_dim3A_590 : i1 to vector<16xi1>
        %masked_cumsum3A_592 = tpu.scan <sum>, %add3A_589 masked %broadcast_in_dim3A_591 : vector<16xf32>, vector<16xi1> -> vector<16xf32>
        %add3A_593 = arith.constant 3 : i32
        %add3A_594 = arith.addi %mul3A_521, %add3A_593 : i32
        %broadcast_in_dim3A_595 = vector.broadcast %add3A_594 : i32 to vector<16xi32>
        tpu.vector_store_idx %arg13[%broadcast_in_dim3A_595], %masked_cumsum3A_592 masked %eq3A_390 : memref<320xf32, #tpu.memory_space<vmem>>[vector<16xi32>], vector<16xf32>, vector<16xi1>
        %add3A_596 = arith.constant 4 : i32
        %add3A_597 = arith.addi %mul3A_521, %add3A_596 : i32
        %get3A_598 = arith.index_cast %add3A_597 : i32 to index
        %get3A_599 = arith.constant 0 : index
        %get3A_600 = tpu.vector_load %arg12[%get3A_598, %get3A_599] {strides = array<i32>} : memref<320x32xf32, #tpu.memory_space<vmem>>, vector<16xf32>,
        %mul3A_601 = arith.mulf %get3A_600, %add3A_513 : vector<16xf32>
        %add3A_602 = arith.constant 4 : i32
        %add3A_603 = arith.addi %mul3A_521, %add3A_602 : i32
        %get3A_604 = arith.index_cast %add3A_603 : i32 to index
        %get3A_605 = arith.constant 16 : index
        %get3A_606 = tpu.vector_load %arg12[%get3A_604, %get3A_605] {strides = array<i32>} : memref<320x32xf32, #tpu.memory_space<vmem>>, vector<16xf32>,
        %mul3A_607 = arith.mulf %get3A_606, %add3A_519 : vector<16xf32>
        %add3A_608 = arith.addf %mul3A_601, %mul3A_607 : vector<16xf32>
        %broadcast_in_dim3A_609 = arith.constant true
        %broadcast_in_dim3A_610 = vector.broadcast %broadcast_in_dim3A_609 : i1 to vector<16xi1>
        %masked_cumsum3A_611 = tpu.scan <sum>, %add3A_608 masked %broadcast_in_dim3A_610 : vector<16xf32>, vector<16xi1> -> vector<16xf32>
        %add3A_612 = arith.constant 4 : i32
        %add3A_613 = arith.addi %mul3A_521, %add3A_612 : i32
        %broadcast_in_dim3A_614 = vector.broadcast %add3A_613 : i32 to vector<16xi32>
        tpu.vector_store_idx %arg13[%broadcast_in_dim3A_614], %masked_cumsum3A_611 masked %eq3A_390 : memref<320xf32, #tpu.memory_space<vmem>>[vector<16xi32>], vector<16xf32>, vector<16xi1>
      }
      %scan3A_396 = arith.constant 64 : i32
      %mul3A_397 = arith.constant 2560 : i32
      %mul3A_398 = arith.muli %add3A, %mul3A_397 : i32
      %mul3A_399 = arith.constant 64 : i32
      %mul3A_400 = arith.muli %add3A_249, %mul3A_399 : i32
      %mul3A_401 = arith.constant 5 : i32
      %mul3A_402 = arith.muli %mul3A_400, %mul3A_401 : i32
      %add3A_403 = arith.addi %mul3A_398, %mul3A_402 : i32
      "tpu.region"() ({
        %run_scoped3A = tpu.sem_alloc : memref<!tpu.dma_semaphore, #tpu.memory_space<semaphore_mem>>
        %dma_start3A_404 = tpu.memref_slice %arg6[%add3A_403] : memref<81920xf32, #tpu.memory_space<hbm>> -> memref<320xf32, #tpu.memory_space<hbm>>
        %dma_start3A_405 = tpu.memref_slice %arg6[%add3A_403] : memref<81920xf32, #tpu.memory_space<hbm>> -> memref<320xf32, #tpu.memory_space<hbm>>
        tpu.enqueue_dma source(%arg13 : memref<320xf32, #tpu.memory_space<vmem>>) target(%dma_start3A_405 : memref<320xf32, #tpu.memory_space<hbm>>) target_semaphore(%run_scoped3A : memref<!tpu.dma_semaphore, #tpu.memory_space<semaphore_mem>>)
        %dma_wait3A_406 = tpu.memref_slice %arg6[%add3A_403] : memref<81920xf32, #tpu.memory_space<hbm>> -> memref<320xf32, #tpu.memory_space<hbm>>
        %dma_wait3A_407 = tpu.memref_slice %arg6[%add3A_403] : memref<81920xf32, #tpu.memory_space<hbm>> -> memref<320xf32, #tpu.memory_space<hbm>>
        tpu.wait_dma2 semaphore(%run_scoped3A : memref<!tpu.dma_semaphore, #tpu.memory_space<semaphore_mem>>) src(%arg13 : memref<320xf32, #tpu.memory_space<vmem>>) dst(%dma_wait3A_407 : memref<320xf32, #tpu.memory_space<hbm>>)
        tpu.yield
      }) : () -> ()
    }
    %scan3A_92 = arith.constant 4 : i32
    return
  }
}

</mosaic_0001>

<sc_bundles>
// kernel: kernel.3.cloned.1.call-start
scs
__scs_entry_jumppad:
0x0: {  	(pc) =	sbr.rel $0x88, $3  }
0x1: {  	(tag) =	ssettag $0x0;
	lr =	simm.s32 $0x1  }
0x2: {  	[smem:$0x3F9D] =	sst lr;
	_ =	strace $0xD0000000  }
0x3: {  	_ = 	snop  }
0x4: {  	_ = 	snop  }
0x5: {  	_ = 	snop  }
0x6: {  	_ = 	snop  }
0x7: {  	_ = 	snop  }
__scs_overlays_trampoline_lowered:
0x8: {  	[smem:$0x3FAC] =	sst s0  }
0x9: {  	[smem:$0x3FAD] =	sst s1  }
0xa: {  	[smem:$0x3FAE] =	sst s2  }
0xb: {  	[smem:$0x3FAF] =	sst s3  }
0xc: {  	[smem:$0x3FB0] =	sst s4  }
0xd: {  	[smem:$0x3FB1] =	sst s5  }
0xe: {  	[smem:$0x3FB2] =	sst s6  }
0xf: {  	[smem:$0x3FB3] =	sst s7  }
0x10: {  	[smem:$0x3FB4] =	sst s8  }
0x11: {  	[smem:$0x3FB5] =	sst s9;
	s0 =	simm.s32 @!p0 $0x0  }
0x12: {  	s1 =	sld [smem:$0x3F9B];
	s0 =	simm.s32 @p0 $0x1  }
0x13: {  	[smem:$0x3FB6] =	sst s0;
	s0 =	simm.s32 @!p1 $0x0  }
0x14: {  	s2 =	sld [smem:$0x3F9A];
	s0 =	simm.s32 @p1 $0x1  }
0x15: {  	[smem:$0x3FB7] =	sst s0;
	s0 =	simm.s32 @!p2 $0x0  }
0x16: {  	s3 =	sld [smem:$0x3FDB];
	s0 =	simm.s32 @p2 $0x1  }
0x17: {  	s4 =	simm.s32 $0x1BF5;
	[smem:$0x3FB9] =	sst s0  }
0x18: {  	s0 =	sld [smem:$0x3F9C];
	_ =	swait.ge [sflag:s4], $0x0  }
0x19: {  	s7 =	sld [smem:$0x3F9D]  }
0x1a: {  	s8 =	sadd.s32 $0xFFFFE003, lr  }
0x1b: {  	s9 =	sadd.s32 $0xFFFFFEF7, lr;
	s5 =	simm.s32 $0xFFFFFFFF;
	p2 =	slt.u32 s8, $0xFFFFF086  }
0x1c: {  	p1 =	slt.u32 s9, $0xF7A;
	s5 =	simm.s32 @!p2 $0x0  }
0x1d: {  	s5 =	simm.s32 @p1 $0x1;
	p0 =	seq.s32 s7, s2  }
0x1e: {  	s7 =	smul.u32 @!p0 $0xF7A, s2;
	p2 =	seq.s32 @!p0 s5, $0x0  }
0x1f: {  	s9 =	smul.u32 $0xF7A, s1;
	s8 =	simm.s32 @!p0 $0x1BF5;
	p2 =	por !p2, p0  }
0x20: {  	[sflag:s8] =	ssyncset.s32 @!p0 $0xFFFFF086;
	s6 =	sadd.s32 @!p0 s3, s7;
	s7 =	simm.s32 @!p0 $0x108  }
0x21: {  	s3 =	sadd.s32 s3, s9;
	s6 =	sadd.s32 @!p0 $0x88, s6;
	s7 =	simm.s32 @p2 $0x1082  }
0x22: {  	[simem:s7], [sflag:s8] =	dma.local @!p0 [hbm:s6], $0xF7A  }
0x23: {  	s9 =	sor.u32 $0xD0000000, s2;
	s6 =	simm.s32 $0x108;
	_ =	swait.ge @!p0 [sflag:s8], $0x0  }
0x24: {  	s3 =	sadd.s32 $0x88, s3;
	s6 =	simm.s32 @!p1 $0x1082;
	[sflag:s4] =	ssyncset.s32 $0xFFFFF086  }
0x25: {  	[simem:s6], [sflag:s4] =	dma.local [hbm:s3], $0xF7A  }
0x26: {  	[smem:$0x3F9D] =	sst s1;
	(tag) =	ssettag s2;
	_ =	strace s9  }
0x27: {  	s1 =	sld [smem:$0x3FAD]  }
0x28: {  	s2 =	sld [smem:$0x3FAE]  }
0x29: {  	s4 =	sld [smem:$0x3FB0]  }
0x2a: {  	p0 =	seq.s32 s5, $0x0;
	s5 =	sld [smem:$0x3FB1]  }
0x2b: {  	s6 =	sld [smem:$0x3FB2]  }
0x2c: {  	s7 =	sld [smem:$0x3FB3]  }
0x2d: {  	s3 =	simm.s32 $0x108;
	s8 =	sld [smem:$0x3FB4]  }
0x2e: {  	s3 =	simm.s32 @!p0 $0x1082;
	s9 =	sld [smem:$0x3FB5]  }
0x2f: {  	lr =	sadd.s32 s0, s3;
	s0 =	sld [smem:$0x3FAC]  }
0x30: {  	s3 =	sld [smem:$0x3FAF]  }
0x31: {  	[smem:$0x3FB8] =	sst s10  }
0x32: {  	s10 =	sld [smem:$0x3FB6];
	_ =	sdelay $0x3  }
0x33: {  	p0 =	seq.s32 s10, $0x1;
	s10 =	sld [smem:$0x3FB8];
	_ =	sdelay $0x3  }
0x34: {  	[smem:$0x3FB8] =	sst s10  }
0x35: {  	s10 =	sld [smem:$0x3FB7];
	_ =	sdelay $0x3  }
0x36: {  	p1 =	seq.s32 s10, $0x1;
	s10 =	sld [smem:$0x3FB8];
	_ =	sdelay $0x3  }
0x37: {  	[smem:$0x3FB8] =	sst s10  }
0x38: {  	s10 =	sld [smem:$0x3FB9]  }
0x39: {  	_ = 	snop;
	(pc) =	sbr.ind lr, $3  }
0x3a: {  	_ = 	snop  }
0x3b: {  	_ = 	snop  }
0x3c: {  	p2 =	seq.s32 s10, $0x1;
	s10 =	sld [smem:$0x3FB8]  }
0x3d: {  	_ =	shalt  }
0x3e: {  	_ =	shalt  }
0x3f: {  	_ =	shalt  }
0x40: {  	_ =	shalt  }
0x41: {  	_ =	shalt  }
0x42: {  	_ =	shalt  }
0x43: {  	_ =	shalt  }
0x44: {  	_ =	shalt  }
0x45: {  	_ =	shalt  }
0x46: {  	_ =	shalt  }
0x47: {  	_ =	shalt  }
0x48: {  	_ =	shalt  }
0x49: {  	_ =	shalt  }
0x4a: {  	_ =	shalt  }
0x4b: {  	_ =	shalt  }
0x4c: {  	_ =	shalt  }
0x4d: {  	_ =	shalt  }
0x4e: {  	_ =	shalt  }
0x4f: {  	_ =	shalt  }
0x50: {  	_ =	shalt  }
0x51: {  	_ =	shalt  }
0x52: {  	_ =	shalt  }
0x53: {  	_ =	shalt  }
0x54: {  	_ =	shalt  }
0x55: {  	_ =	shalt  }
0x56: {  	_ =	shalt  }
0x57: {  	_ =	shalt  }
0x58: {  	_ =	shalt  }
0x59: {  	_ =	shalt  }
0x5a: {  	_ =	shalt  }
0x5b: {  	_ =	shalt  }
0x5c: {  	_ =	shalt  }
0x5d: {  	_ =	shalt  }
0x5e: {  	_ =	shalt  }
0x5f: {  	_ =	shalt  }
0x60: {  	_ =	shalt  }
0x61: {  	_ =	shalt  }
0x62: {  	_ =	shalt  }
0x63: {  	_ =	shalt  }
0x64: {  	_ =	shalt  }
0x65: {  	_ =	shalt  }
0x66: {  	_ =	shalt  }
0x67: {  	_ =	shalt  }
0x68: {  	_ =	shalt  }
0x69: {  	_ =	shalt  }
0x6a: {  	_ =	shalt  }
0x6b: {  	_ =	shalt  }
0x6c: {  	_ =	shalt  }
0x6d: {  	_ =	shalt  }
0x6e: {  	_ =	shalt  }
0x6f: {  	_ =	shalt  }
0x70: {  	_ =	shalt  }
0x71: {  	_ =	shalt  }
0x72: {  	_ =	shalt  }
0x73: {  	_ =	shalt  }
0x74: {  	_ =	shalt  }
0x75: {  	_ =	shalt  }
0x76: {  	_ =	shalt  }
0x77: {  	_ =	shalt  }
0x78: {  	_ =	shalt  }
0x79: {  	_ =	shalt  }
0x7a: {  	_ =	shalt  }
0x7b: {  	_ =	shalt  }
0x7c: {  	_ =	shalt  }
0x7d: {  	_ =	shalt  }
0x7e: {  	_ =	shalt  }
0x7f: {  	_ =	shalt  }
0x80: {  	_ =	shalt  }
0x81: {  	_ =	shalt  }
0x82: {  	_ =	shalt  }
0x83: {  	_ =	shalt  }
0x84: {  	_ =	shalt  }
0x85: {  	_ =	shalt  }
0x86: {  	_ =	shalt  }
0x87: {  	_ =	shalt  }
.Lfunc_end0:
.L_simem_size_0:
called_computation_lowered:
.L_overlay_start_0:
0x88: {  	s2 =	sld [smem:$0x3FD9]  }
0x89: {  	s3 =	sld [smem:$0x3FFE];
	_ =	sdelay $0x1  }
0x8a: {  	s1 =	srdreg.scid  }
0x8b: {  	s0 =	sand.u32 $0x1, s1  }
0x8c: {  	s17 =	sshll.u32 s0, $0xA;
	s2 =	sadd.s32 s3, s2  }
0x8d: {  	s2 =	sadd.s32 s2, s17  }
0x8e: {  	[smem:$0x3FC4] =	sst s2  }
0x8f: {  	_ = 	snop  }
0x90: {  	s2 =	sld [smem:$0x3FD0];
	(tm) =	ssettm $0x1  }
0x91: {  	s18 =	sld [smem:$0x3FFB];
	_ =	sdelay $0x3  }
0x92: {  	_ =	strace s18  }
0x93: {  	s3 =	sld [smem:$0x3FFC];
	_ =	sdelay $0x3  }
0x94: {  	_ =	strace s3  }
0x95: {  	s3 =	sld [smem:$0x3FFD];
	_ =	sdelay $0x3  }
0x96: {  	_ =	strace s3  }
0x97: {  	_ =	strace $0x8FFFFFFF  }
0x98: {  	s19 =	sld [smem:$0x3FDB];
	_ =	sdelay $0x1  }
0x99: {  	s4 =	simm.s32 $_scs_section_size  }
0x9a: {  	s5 =	simm.s32 $_size__tile_overlayer_lowered;
	s6 =	simm.s32 $_tile_overlayer_lowered  }
0x9b: {  	s22 =	simm.s32 $0x1BFF;
	s21 =	sshll.u32 s6, $0x1;
	s3 =	sadd.s32 s4, s19  }
0x9c: {  	s7 =	simm.s32 $0x0;
	s20 =	sshll.u32 s5, $0x1;
	s5 =	sadd.s32 s21, s3  }
0x9d: {  	[timem:s7], [sflag:s22] =	dma.local [hbm:s5], s20  }
0x9e: {  	_ =	swait.ge [sflag:s22], s20  }
0x9f: {  	s4 =	ssub.s32 $0x0, s20;
	[sflag:s22] =	ssyncset.done $0x0  }
0xa0: {  	[sflag:s22] =	ssyncadd.s32 s4;
	_ =	sdelay $0x1  }
0xa1: {  	s23 =	simm.s32 $0x1B8B  }
0xa2: {  	_ =	swait.ge [sflag:s23], $0x1  }
0xa3: {  	[sflag:s23] =	ssyncset.done $0x0  }
0xa4: {  	s25 =	simm.s32 $0x1B8E;
	s24 =	sld [smem:$0x3FFE];
	[sflag:s23] =	ssyncadd.s32 $0xFFFFFFFF  }
0xa5: {  	s26 =	simm.s32 $execute0_lowered;
	[smem:$0x3FD2] =	sst s25  }
0xa6: {  	s5 =	sshll.u32 s26, $0x1;
	_ =	strace $0x80000046;
	[dreg:$0x1] =	wrdreg $0xFFFFFFFF  }
0xa7: {  	s28 =	simm.s32 $_size_execute0_lowered;
	s3 =	sadd.s32 s3, s5;
	[dreg:$0x0] =	wrdreg $0x0  }
0xa8: {  	s5 =	sshll.u32 s28, $0x1;
	[dreg:$0x2] =	wrdreg s3  }
0xa9: {  	[dreg:$0x3] =	wrdreg s5  }
0xaa: {  	[dreg:$0x4] =	wrdreg $0xC0  }
0xab: {  	_ =	task [dreg:s7], $0x5FFFF  }
0xac: {  	[dreg:$0x1] =	wrdreg $0xFFFFFFFF  }
0xad: {  	[dreg:$0x0] =	wrdreg $0x60  }
0xae: {  	[dreg:$0x2] =	wrdreg s24  }
0xaf: {  	[dreg:$0x3] =	wrdreg s2  }
0xb0: {  	[dreg:$0x4] =	wrdreg $0x9  }
0xb1: {  	_ =	task.clear_ibuf [dreg:s7], $0x5FFFF;
	_ =	strace $0x90000046  }
0xb2: {  	s29 =	simm.s32 $0x9;
	_ =	strace $0x80000048  }
0xb3: {  	_ =	swait.ge [sflag:s29], $0x1  }
0xb4: {  	[sflag:s29] =	ssyncadd.s32 $0xFFFFFFFF  }
0xb5: {  	_ =	strace $0x90000048  }
0xb6: {  	_ =	sfence  }
0xb7: {  	s30 =	sld [smem:$0x0];
	_ =	sdelay $0x2  }
0xb8: {  	s31 =	sshll.u32 s1, $0xD;
	s1 =	sshrl.u32 s1, $0x2  }
0xb9: {  	s3 =	sand.u32 $0x4000, s31;
	s1 =	sadd.s32 s1, s30  }
0xba: {  	s0 =	sor.u32 s3, s0;
	s1 =	sshll.u32 s1, $0x11  }
0xbb: {  	s0 =	sor.u32 s1, s0  }
0xbc: {  	s0 =	sadd.s32 $0x8F2B, s0  }
0xbd: {  	[sflag:s0] =	ssyncadd.remote.s32 $0x1  }
0xbe: {  	_ =	sfence.sel $0xFFFF  }
0xbf: {  	[dreg:$0x0] =	wrdreg $0xFFFFFFFF;
	(pc) =	sbr.abs _section_cstart, $3  }
0xc0: {  	[dreg:$0x1] =	wrdreg $0xFFFFFFFF  }
0xc1: {  	_ =	task.clear_ibuf [dreg:s7], $0x2FFFF;
	_ =	strace $0x9FFFFFFF  }
0xc2: {  	(tm) =	ssettm $0x7FFFFFFF  }
0xc3: {  	_ =	shalt  }
tec
execute0_lowered:
.L_overlay_start_1:
0x0: {  	(tag) =	ssettag $0x1  }
0x1: {  	s0 =	srdreg.scid  }
0x2: {  	s2 =	stileid.u32;
	s1 =	rddreg [dreg:$0x0]  }
0x3: {  	s7 =	rddreg [dreg:$0x1];
	s10 =	simm.s32 $0x3;
	s12 =	simm.s32 $0x80  }
0x4: {  	s21 =	simm.s32 $0x40;
	s13 =	simm.s32 $0x8E00;
	s14 =	simm.s32 $0x9E00  }
0x5: {  	s15 =	simm.s32 $0xAE00;
	s16 =	simm.s32 $0xE600;
	s17 =	simm.s32 $0xEE00  }
0x6: {  	s18 =	simm.s32 $0xF600;
	s19 =	simm.s32 $0xFE00;
	s20 =	simm.s32 $0x10600  }
0x7: {  	s22 =	simm.s32 $0x1;
	s23 =	simm.s32 $0x10E00;
	s24 =	simm.s32 $0x2  }
0x8: {  	s25 =	simm.s32 $0x0;
	s0 =	sand.u32 $0x1, s0;
	s2 =	sshll.u32 s2, $0x1  }
0x9: {  	s5 =	sadd.s32 $0xF42C00, s1;
	s6 =	sadd.s32 $0x5800, s1;
	s3 =	sor.u32 s0, s2  }
0xa: {  	s2 =	simm.s32 $0x0;
	s0 =	ssub.s32 $0x2, s0;
	s4 =	smul.u32 $0x280, s3  }
0xb: {  	[smem:$0x7FF] =	sst s2;
	s3 =	smul.u32 $0xA00, s3;
	s29 =	sshrl.u32 s0, $0x1  }
0xc: {  	_ =	strace $0x80000047;
	s0 =	ssub.s32 s0, s29;
	s8 =	sadd.s32 s4, s1  }
0xd: {  	s4 =	sadd.s32 $0x1313600, s1;
	s9 =	sshrl.u32 s3, $0x3;
	s30 =	sadd.s32 $0x800, s8  }
0xe: {  	vm0 =	vcmask $0x3F3C;
	s1 =	simm.s32 $0x6E00;
	s31 =	sadd.s32 s7, s9;
	[dreg:$0x3] =	wrdreg s30  }
0xf: {  	s9 =	smax.u32 s0, $0x1;
	s0 =	simm.s32 $0x7E00;
	[dreg:$0x4] =	wrdreg s31  }
.LBB2_1:
0x10: {  	s7 =	rddreg [dreg:$0x3]  }
0x11: {  	[tilespmem:s2], [sflag:$0x3] =	stream.linear.gather [hbm4b:s7+s2], $0x1400, $0x38;
	[tilespmem:$0x10F40] =	vst v63  }
0x12: {  	_ =	swait.ge [sflag:s10], $0x1400  }
0x13: {  	[sflag:s10] =	ssyncset.done $0x0  }
0x14: {  	s8 =	simm.s32 $0x1400;
	s11 =	rddreg [dreg:$0x4];
	[sflag:s10] =	ssyncadd.s32 $0xFFFFEC00  }
0x15: {  	[tilespmem:s8], [sflag:$0x3] =	stream.linear.gather [hbm4b:s11+s2], $0xA00, $0x38;
	[tilespmem:$0x10F40] =	vst v63  }
0x16: {  	_ =	swait.ge [sflag:s10], $0xA00  }
0x17: {  	[sflag:s10] =	ssyncset.done $0x0  }
0x18: {  	s26 =	simm.s32 $0x1E00;
	[sflag:s10] =	ssyncadd.s32 $0xFFFFF600  }
0x19: {  	[tilespmem:s26], [sflag:$0x1] =	stream.indirect.gather [hbm4b:s4+s12], $0x20, s2, s12, $0xb8;
	[tilespmem:$0x10F40] =	vst v63  }
0x1a: {  	s28 =	simm.s32 $0x2E00  }
0x1b: {  	[tilespmem:s28], [sflag:$0x1] =	stream.indirect.gather [hbm4b:s4+s12], $0x20, s12, s12, $0xb8;
	[tilespmem:$0x10F40] =	vst v63  }
0x1c: {  	s29 =	simm.s32 $0x100;
	s11 =	simm.s32 $0x3E00  }
0x1d: {  	[tilespmem:s11], [sflag:$0x1] =	stream.indirect.gather [hbm4b:s4+s12], $0x20, s29, s12, $0xb8;
	[tilespmem:$0x10F40] =	vst v63  }
0x1e: {  	s30 =	simm.s32 $0x180;
	s31 =	simm.s32 $0x4E00  }
0x1f: {  	[tilespmem:s31], [sflag:$0x1] =	stream.indirect.gather [hbm4b:s4+s12], $0x20, s30, s12, $0xb8;
	[tilespmem:$0x10F40] =	vst v63  }
0x20: {  	s26 =	simm.s32 $0x200;
	s28 =	simm.s32 $0x5E00  }
0x21: {  	[tilespmem:s28], [sflag:$0x1] =	stream.indirect.gather [hbm4b:s4+s12], $0x20, s26, s12, $0xb8;
	[tilespmem:$0x10F40] =	vst v63  }
0x22: {  	s29 =	simm.s32 $0xBE00  }
0x23: {  	[tilespmem:s29], [sflag:$0x1] =	stream.indirect.gather [hbm4b:s5+s21], $0x20, s8, s21, $0xb8;
	[tilespmem:$0x10F40] =	vst v63  }
0x24: {  	s30 =	simm.s32 $0x1440;
	s31 =	simm.s32 $0xC600  }
0x25: {  	[tilespmem:s31], [sflag:$0x1] =	stream.indirect.gather [hbm4b:s5+s21], $0x20, s30, s21, $0xb8;
	[tilespmem:$0x10F40] =	vst v63  }
0x26: {  	s11 =	simm.s32 $0x1480;
	s26 =	simm.s32 $0xCE00  }
0x27: {  	[tilespmem:s26], [sflag:$0x1] =	stream.indirect.gather [hbm4b:s5+s21], $0x20, s11, s21, $0xb8;
	[tilespmem:$0x10F40] =	vst v63  }
0x28: {  	s28 =	simm.s32 $0x14C0;
	s29 =	simm.s32 $0xD600  }
0x29: {  	[tilespmem:s29], [sflag:$0x1] =	stream.indirect.gather [hbm4b:s5+s21], $0x20, s28, s21, $0xb8;
	[tilespmem:$0x10F40] =	vst v63  }
0x2a: {  	s30 =	simm.s32 $0x1500;
	s31 =	simm.s32 $0xDE00;
	s26 =	simm.s32 $0x0  }
0x2b: {  	[tilespmem:s31], [sflag:$0x1] =	stream.indirect.gather [hbm4b:s5+s21], $0x20, s30, s21, $0xb8;
	[tilespmem:$0x10F40] =	vst v63  }
.LBB2_2:
0x2c: {  	s7 =	sshllo.u32 s26, $0x1  }
0x2d: {  	s11 =	smul.u32 $0xA00, s7;
	_ =	sdelay $0x1  }
0x2e: {  	s11 =	sshra.s32 s11, $0x2  }
0x2f: {  	[tilespmem:s1], [sflag:$0x2] =	stream.indirect.gather [hbm4b:s4+s12], $0x20, s11, s12, $0xb8;
	[tilespmem:$0x10F40] =	vst v63  }
0x30: {  	s28 =	sadd.s32 $0x80, s11  }
0x31: {  	[tilespmem:s0], [sflag:$0x2] =	stream.indirect.gather [hbm4b:s4+s12], $0x20, s28, s12, $0xb8;
	[tilespmem:$0x10F40] =	vst v63  }
0x32: {  	s28 =	sadd.s32 $0x100, s11  }
0x33: {  	[tilespmem:s13], [sflag:$0x2] =	stream.indirect.gather [hbm4b:s4+s12], $0x20, s28, s12, $0xb8;
	[tilespmem:$0x10F40] =	vst v63  }
0x34: {  	s28 =	sadd.s32 $0x180, s11  }
0x35: {  	[tilespmem:s14], [sflag:$0x2] =	stream.indirect.gather [hbm4b:s4+s12], $0x20, s28, s12, $0xb8;
	[tilespmem:$0x10F40] =	vst v63  }
0x36: {  	s8 =	sadd.s32 $0x200, s11;
	s28 =	smul.u32 $0x140, s7  }
0x37: {  	[tilespmem:s15], [sflag:$0x2] =	stream.indirect.gather [hbm4b:s4+s12], $0x20, s8, s12, $0xb8;
	[tilespmem:$0x10F40] =	vst v63  }
0x38: {  	s11 =	sadd.s32 $0x1400, s28  }
0x39: {  	[tilespmem:s16], [sflag:$0x2] =	stream.indirect.gather [hbm4b:s5+s21], $0x20, s11, s21, $0xb8;
	[tilespmem:$0x10F40] =	vst v63  }
0x3a: {  	s8 =	sadd.s32 $0x1440, s28  }
0x3b: {  	[tilespmem:s17], [sflag:$0x2] =	stream.indirect.gather [hbm4b:s5+s21], $0x20, s8, s21, $0xb8;
	[tilespmem:$0x10F40] =	vst v63  }
0x3c: {  	s11 =	sadd.s32 $0x1480, s28  }
0x3d: {  	[tilespmem:s18], [sflag:$0x2] =	stream.indirect.gather [hbm4b:s5+s21], $0x20, s11, s21, $0xb8;
	[tilespmem:$0x10F40] =	vst v63  }
0x3e: {  	s8 =	sadd.s32 $0x14C0, s28  }
0x3f: {  	[tilespmem:s19], [sflag:$0x2] =	stream.indirect.gather [hbm4b:s5+s21], $0x20, s8, s21, $0xb8;
	[tilespmem:$0x10F40] =	vst v63  }
0x40: {  	s11 =	sadd.s32 $0x1500, s28  }
0x41: {  	[tilespmem:s20], [sflag:$0x2] =	stream.indirect.gather [hbm4b:s5+s21], $0x20, s11, s21, $0xb8;
	[tilespmem:$0x10F40] =	vst v63  }
0x42: {  	_ =	swait.ge [sflag:s22], $0x1000  }
0x43: {  	[sflag:s22] =	ssyncset.done $0x0  }
0x44: {  	[sflag:s22] =	ssyncadd.s32 $0xFFFFF000  }
0x45: {  	_ =	swait.ge [sflag:s22], $0x1000  }
0x46: {  	[sflag:s22] =	ssyncset.done $0x0  }
0x47: {  	[sflag:s22] =	ssyncadd.s32 $0xFFFFF000  }
0x48: {  	_ =	swait.ge [sflag:s22], $0x1000  }
0x49: {  	[sflag:s22] =	ssyncset.done $0x0  }
0x4a: {  	[sflag:s22] =	ssyncadd.s32 $0xFFFFF000  }
0x4b: {  	_ =	swait.ge [sflag:s22], $0x1000  }
0x4c: {  	[sflag:s22] =	ssyncset.done $0x0  }
0x4d: {  	[sflag:s22] =	ssyncadd.s32 $0xFFFFF000  }
0x4e: {  	_ =	swait.ge [sflag:s22], $0x1000  }
0x4f: {  	[sflag:s22] =	ssyncset.done $0x0  }
0x50: {  	[sflag:s22] =	ssyncadd.s32 $0xFFFFF000  }
0x51: {  	_ =	swait.ge [sflag:s22], $0x800  }
0x52: {  	[sflag:s22] =	ssyncset.done $0x0  }
0x53: {  	[sflag:s22] =	ssyncadd.s32 $0xFFFFF800  }
0x54: {  	_ =	swait.ge [sflag:s22], $0x800  }
0x55: {  	[sflag:s22] =	ssyncset.done $0x0  }
0x56: {  	[sflag:s22] =	ssyncadd.s32 $0xFFFFF800  }
0x57: {  	_ =	swait.ge [sflag:s22], $0x800  }
0x58: {  	[sflag:s22] =	ssyncset.done $0x0  }
0x59: {  	[sflag:s22] =	ssyncadd.s32 $0xFFFFF800  }
0x5a: {  	_ =	swait.ge [sflag:s22], $0x800  }
0x5b: {  	[sflag:s22] =	ssyncset.done $0x0  }
0x5c: {  	[sflag:s22] =	ssyncadd.s32 $0xFFFFF800  }
0x5d: {  	_ =	swait.ge [sflag:s22], $0x800  }
0x5e: {  	[sflag:s22] =	ssyncset.done $0x0  }
0x5f: {  	s29 =	simm.s32 $0x1EA0;
	[sflag:s22] =	ssyncadd.s32 $0xFFFFF800  }
0x60: {  	v0 =	vld [tilespmem:s29+$0xFFFFFF90]  }
0x61: {  	v1 =	vld [tilespmem:s29+$0xFFFFFF60]  }
0x62: {  	v2 =	vld [tilespmem:s29+$0xFFFFFF80]  }
0x63: {  	v3 =	vld [tilespmem:s29+$0xFFFFFF70]  }
0x64: {  	v4 =	vld [tilespmem:s29+$0xFFFFFFA0]  }
0x65: {  	v5 =	vld [tilespmem:s29+$0xFFFFFFB0]  }
0x66: {  	v6 =	vld [tilespmem:s29+$0xFFFFFFC0]  }
0x67: {  	v7 =	vld [tilespmem:s29+$0xFFFFFFD0]  }
0x68: {  	v1 =	vadd.f32 v2, v1;
	v0 =	vadd.f32 v0, v3;
	v2 =	vld [tilespmem:s29+$0xFFFFFFE0]  }
0x69: {  	v3 =	vld [tilespmem:s29+$0xFFFFFFF0]  }
0x6a: {  	v56 =	vld [tilespmem:s29+$0x0];
	v1 =	vadd.f32 v4, v1;
	v0 =	vadd.f32 v5, v0  }
0x6b: {  	v57 =	vld [tilespmem:s29+$0x10]  }
0x6c: {  	v58 =	vld [tilespmem:s29+$0x20];
	v1 =	vadd.f32 v6, v1;
	v0 =	vadd.f32 v7, v0  }
0x6d: {  	v59 =	vld [tilespmem:s29+$0x30]  }
0x6e: {  	v1 =	vadd.f32 v2, v1;
	v0 =	vadd.f32 v3, v0;
	v2 =	vld [tilespmem:s29+$0x40]  }
0x6f: {  	v3 =	vld [tilespmem:s29+$0x50]  }
0x70: {  	v60 =	vld [tilespmem:s29+$0x70];
	v1 =	vadd.f32 v56, v1;
	v0 =	vadd.f32 v57, v0  }
0x71: {  	v61 =	vld [tilespmem:s29+$0x60]  }
0x72: {  	v62 =	vld [tilespmem:s29+$0x90];
	v1 =	vadd.f32 v58, v1;
	v0 =	vadd.f32 v59, v0  }
0x73: {  	s30 =	simm.s32 $0xBE50;
	v63 =	vld [tilespmem:s29+$0x80]  }
0x74: {  	v1 =	vadd.f32 v2, v1;
	v0 =	vadd.f32 v3, v0;
	v2 =	vld [tilespmem:s30+$0xFFFFFFC0]  }
0x75: {  	v3 =	vld [tilespmem:s30+$0xFFFFFFB0]  }
0x76: {  	v1 =	vadd.f32 v61, v1;
	v0 =	vadd.f32 v60, v0;
	_ =	sdelay $0x1  }
0x77: {  	v1 =	vadd.f32 v63, v1;
	v0 =	vadd.f32 v62, v0;
	_ =	sdelay $0x1  }
0x78: {  	v3 =	vmul.f32 v3, v1;
	v2 =	vmul.f32 v2, v0;
	_ =	sdelay $0x1  }
0x79: {  	v2 =	vadd.f32 v2, v3;
	_ =	sdelay $0x1  }
0x7a: {  	(xrf2) =	vadd.scan.msk.f32 $0xffff, v2;
	_ =	sdelay $0x4  }
0x7b: {  	s8 =	simm.s32 $0x0  }
0x7c: {  	v2 =	vmov s8;
	_ =	sdelay $0x3  }
0x7d: {  	v3, _, _ =	vpop (xrf2)  }
0x7e: {  	[tilespmem:v2+s23+$0x0] =	vst.idx.msk vm0, v3  }
0x7f: {  	v2 =	vld [tilespmem:s30+$0xFFFFFFD0]  }
0x80: {  	v3 =	vld [tilespmem:s30+$0xFFFFFFE0];
	_ =	sdelay $0x4  }
0x81: {  	v2 =	vmul.f32 v2, v1;
	v3 =	vmul.f32 v3, v0;
	_ =	sdelay $0x1  }
0x82: {  	v2 =	vadd.f32 v3, v2;
	_ =	sdelay $0x1  }
0x83: {  	(xrf2) =	vadd.scan.msk.f32 $0xffff, v2;
	_ =	sdelay $0x4  }
0x84: {  	s11 =	simm.s32 $0x1  }
0x85: {  	v2 =	vmov s11;
	_ =	sdelay $0x3  }
0x86: {  	v3, _, _ =	vpop (xrf2)  }
0x87: {  	[tilespmem:v2+s23+$0x0] =	vst.idx.msk vm0, v3  }
0x88: {  	v2 =	vld [tilespmem:s30+$0xFFFFFFF0]  }
0x89: {  	v3 =	vld [tilespmem:s30+$0x0];
	_ =	sdelay $0x4  }
0x8a: {  	v2 =	vmul.f32 v2, v1;
	v3 =	vmul.f32 v3, v0;
	_ =	sdelay $0x1  }
0x8b: {  	v2 =	vadd.f32 v3, v2;
	_ =	sdelay $0x1  }
0x8c: {  	(xrf2) =	vadd.scan.msk.f32 $0xffff, v2;
	_ =	sdelay $0x4  }
0x8d: {  	s8 =	simm.s32 $0x2  }
0x8e: {  	v2 =	vmov s8;
	_ =	sdelay $0x3  }
0x8f: {  	v3, _, _ =	vpop (xrf2)  }
0x90: {  	[tilespmem:v2+s23+$0x0] =	vst.idx.msk vm0, v3  }
0x91: {  	v2 =	vld [tilespmem:s30+$0x20]  }
0x92: {  	v3 =	vld [tilespmem:s30+$0x10];
	_ =	sdelay $0x4  }
0x93: {  	v2 =	vmul.f32 v2, v0;
	v3 =	vmul.f32 v3, v1;
	_ =	sdelay $0x1  }
0x94: {  	v2 =	vadd.f32 v2, v3;
	_ =	sdelay $0x1  }
0x95: {  	(xrf2) =	vadd.scan.msk.f32 $0xffff, v2;
	_ =	sdelay $0x4  }
0x96: {  	s11 =	simm.s32 $0x3  }
0x97: {  	v2 =	vmov s11;
	_ =	sdelay $0x3  }
0x98: {  	v3, _, _ =	vpop (xrf2)  }
0x99: {  	[tilespmem:v2+s23+$0x0] =	vst.idx.msk vm0, v3  }
0x9a: {  	v2 =	vld [tilespmem:s30+$0x30]  }
0x9b: {  	v3 =	vld [tilespmem:s30+$0x40];
	_ =	sdelay $0x4  }
0x9c: {  	v1 =	vmul.f32 v2, v1;
	v0 =	vmul.f32 v3, v0;
	_ =	sdelay $0x1  }
0x9d: {  	v0 =	vadd.f32 v0, v1;
	_ =	sdelay $0x1  }
0x9e: {  	(xrf2) =	vadd.scan.msk.f32 $0xffff, v0;
	_ =	sdelay $0x4  }
0x9f: {  	s8 =	simm.s32 $0x4  }
0xa0: {  	s31 =	sshll.u32 s26, $0x1;
	s11 =	simm.s32 $0x9;
	v0 =	vmov s8  }
.LBB2_3:
0xa1: {  	p0 =	sne.s32 s11, $0x13F;
	s29 =	sadd.s32 $0x140, s29;
	s30 =	sadd.s32 $0xA0, s30  }
0xa2: {  	s7 =	smov.u32 s11;
	s11 =	sadd.s32 $0x5, s11;
	_ =	sdelay $0x1  }
0xa3: {  	v1, _, _ =	vpop (xrf2)  }
0xa4: {  	[tilespmem:v0+s23+$0x0] =	vst.idx.msk vm0, v1  }
0xa5: {  	v0 =	vld [tilespmem:s29+$0xFFFFFF90]  }
0xa6: {  	v1 =	vld [tilespmem:s29+$0xFFFFFF60]  }
0xa7: {  	v2 =	vld [tilespmem:s29+$0xFFFFFF80]  }
0xa8: {  	v3 =	vld [tilespmem:s29+$0xFFFFFF70]  }
0xa9: {  	v4 =	vld [tilespmem:s29+$0xFFFFFFA0]  }
0xaa: {  	v5 =	vld [tilespmem:s29+$0xFFFFFFB0]  }
0xab: {  	v6 =	vld [tilespmem:s29+$0xFFFFFFC0]  }
0xac: {  	v1 =	vadd.f32 v2, v1;
	v2 =	vld [tilespmem:s29+$0xFFFFFFD0]  }
0xad: {  	v0 =	vadd.f32 v0, v3;
	v3 =	vld [tilespmem:s29+$0xFFFFFFE0]  }
0xae: {  	v1 =	vadd.f32 v4, v1;
	v4 =	vld [tilespmem:s29+$0xFFFFFFF0]  }
0xaf: {  	v0 =	vadd.f32 v5, v0;
	v5 =	vld [tilespmem:s29+$0x0]  }
0xb0: {  	v1 =	vadd.f32 v6, v1;
	v6 =	vld [tilespmem:s29+$0x10]  }
0xb1: {  	v0 =	vadd.f32 v2, v0;
	v2 =	vld [tilespmem:s29+$0x20]  }
0xb2: {  	v1 =	vadd.f32 v3, v1;
	v3 =	vld [tilespmem:s29+$0x30]  }
0xb3: {  	v0 =	vadd.f32 v4, v0;
	v4 =	vld [tilespmem:s29+$0x40]  }
0xb4: {  	v1 =	vadd.f32 v5, v1;
	v5 =	vld [tilespmem:s29+$0x50]  }
0xb5: {  	v0 =	vadd.f32 v6, v0;
	v6 =	vld [tilespmem:s29+$0x70]  }
0xb6: {  	v1 =	vadd.f32 v2, v1;
	v2 =	vld [tilespmem:s29+$0x60]  }
0xb7: {  	v0 =	vadd.f32 v3, v0;
	v3 =	vld [tilespmem:s29+$0x90]  }
0xb8: {  	v1 =	vadd.f32 v4, v1;
	v4 =	vld [tilespmem:s29+$0x80]  }
0xb9: {  	v0 =	vadd.f32 v5, v0;
	v5 =	vld [tilespmem:s30+$0xFFFFFFC0]  }
0xba: {  	v7 =	vld [tilespmem:s30+$0xFFFFFFB0]  }
0xbb: {  	v1 =	vadd.f32 v2, v1;
	v0 =	vadd.f32 v6, v0;
	_ =	sdelay $0x1  }
0xbc: {  	v1 =	vadd.f32 v4, v1;
	v0 =	vadd.f32 v3, v0;
	_ =	sdelay $0x1  }
0xbd: {  	v2 =	vmul.f32 v7, v1;
	v3 =	vmul.f32 v5, v0;
	_ =	sdelay $0x1  }
0xbe: {  	v2 =	vadd.f32 v3, v2;
	_ =	sdelay $0x1  }
0xbf: {  	(xrf2) =	vadd.scan.msk.f32 $0xffff, v2;
	_ =	sdelay $0x4  }
0xc0: {  	s8 =	sadd.s32 $0xFFFFFFFC, s7  }
0xc1: {  	v2 =	vmov s8;
	_ =	sdelay $0x3  }
0xc2: {  	v3, _, _ =	vpop (xrf2)  }
0xc3: {  	[tilespmem:v2+s23+$0x0] =	vst.idx.msk vm0, v3  }
0xc4: {  	v2 =	vld [tilespmem:s30+$0xFFFFFFD0]  }
0xc5: {  	v3 =	vld [tilespmem:s30+$0xFFFFFFE0];
	_ =	sdelay $0x4  }
0xc6: {  	v2 =	vmul.f32 v2, v1;
	v3 =	vmul.f32 v3, v0;
	_ =	sdelay $0x1  }
0xc7: {  	v2 =	vadd.f32 v3, v2;
	_ =	sdelay $0x1  }
0xc8: {  	(xrf2) =	vadd.scan.msk.f32 $0xffff, v2;
	_ =	sdelay $0x4  }
0xc9: {  	s8 =	sadd.s32 $0xFFFFFFFD, s7  }
0xca: {  	v2 =	vmov s8;
	_ =	sdelay $0x3  }
0xcb: {  	v3, _, _ =	vpop (xrf2)  }
0xcc: {  	[tilespmem:v2+s23+$0x0] =	vst.idx.msk vm0, v3  }
0xcd: {  	v2 =	vld [tilespmem:s30+$0xFFFFFFF0]  }
0xce: {  	v3 =	vld [tilespmem:s30+$0x0];
	_ =	sdelay $0x3  }
0xcf: {  	v2 =	vmul.f32 v2, v1  }
0xd0: {  	v3 =	vmul.f32 v3, v0;
	_ =	sdelay $0x1  }
0xd1: {  	v2 =	vadd.f32 v3, v2;
	_ =	sdelay $0x1  }
0xd2: {  	(xrf2) =	vadd.scan.msk.f32 $0xffff, v2;
	_ =	sdelay $0x4  }
0xd3: {  	s8 =	sadd.s32 $0xFFFFFFFE, s7  }
0xd4: {  	v2 =	vmov s8;
	_ =	sdelay $0x3  }
0xd5: {  	v3, _, _ =	vpop (xrf2)  }
0xd6: {  	[tilespmem:v2+s23+$0x0] =	vst.idx.msk vm0, v3  }
0xd7: {  	v2 =	vld [tilespmem:s30+$0x20]  }
0xd8: {  	v3 =	vld [tilespmem:s30+$0x10];
	_ =	sdelay $0x3  }
0xd9: {  	v2 =	vmul.f32 v2, v0  }
0xda: {  	v3 =	vmul.f32 v3, v1;
	_ =	sdelay $0x1  }
0xdb: {  	v2 =	vadd.f32 v2, v3;
	_ =	sdelay $0x1  }
0xdc: {  	(xrf2) =	vadd.scan.msk.f32 $0xffff, v2;
	_ =	sdelay $0x4  }
0xdd: {  	s8 =	sadd.s32 $0xFFFFFFFF, s7  }
0xde: {  	v2 =	vmov s8;
	_ =	sdelay $0x3  }
0xdf: {  	v3, _, _ =	vpop (xrf2)  }
0xe0: {  	[tilespmem:v2+s23+$0x0] =	vst.idx.msk vm0, v3  }
0xe1: {  	v2 =	vld [tilespmem:s30+$0x30]  }
0xe2: {  	v3 =	vld [tilespmem:s30+$0x40];
	_ =	sdelay $0x3  }
0xe3: {  	v1 =	vmul.f32 v2, v1  }
0xe4: {  	v0 =	vmul.f32 v3, v0;
	_ =	sdelay $0x1  }
0xe5: {  	v0 =	vadd.f32 v0, v1;
	_ =	sdelay $0x1  }
0xe6: {  	(xrf2) =	vadd.scan.msk.f32 $0xffff, v0;
	_ =	sdelay $0x1  }
.Ltmp0:
0xe7: {  	(pc) =	sbr.rel @p0 .LBB2_3-.Ltmp0, $2  }
0xe8: {  	_ =	sdelay $0x2  }
0xe9: {  	v0 =	vmov s7  }
0xea: {  	_ = 	snop  }
0xeb: {  	s7 =	smul.u32 $0x280, s26;
	_ =	sdelay $0x1  }
0xec: {  	s7 =	sadd.s32 s3, s7  }
0xed: {  	v1, _, _ =	vpop (xrf2);
	s7 =	sshrl.u32 s7, $0x3  }
0xee: {  	p0 =	seq.s32 s26, $0x3;
	[tilespmem:v0+s23+$0x0] =	vst.idx.msk vm0, v1;
	s7 =	sadd.s32 s6, s7  }
0xef: {  	[hbm4b:s7+s2] =	stream.linear.scatter [tilespmem:s23], [sflag:$0x3], $0x140, $0x38;
	[tilespmem:$0x10F40] =	vst v63  }
0xf0: {  	s7 =	sadd.s32 @!p0 $0x2, s31  }
0xf1: {  	_ =	swait.ge [sflag:s10], $0x140;
	s8 =	smul.u32 @!p0 $0xA00, s7  }
0xf2: {  	s11 =	simm.s32 @!p0 $0x80;
	[sflag:s10] =	ssyncset.done $0x0  }
0xf3: {  	s29 =	simm.s32 @!p0 $0x1E00;
	[sflag:s10] =	ssyncadd.s32 $0xFFFFFEC0;
	s8 =	sshra.s32 @!p0 s8, $0x2  }
0xf4: {  	[tilespmem:s29], [sflag:$0x1] =	stream.indirect.gather @!p0 [hbm4b:s4+s11], $0x20, s8, s11, $0xb8;
	[tilespmem:$0x10F40] =	vst v63  }
0xf5: {  	s30 =	simm.s32 @!p0 $0x2E00;
	s29 =	sadd.s32 @!p0 $0x80, s8  }
0xf6: {  	[tilespmem:s30], [sflag:$0x1] =	stream.indirect.gather @!p0 [hbm4b:s4+s11], $0x20, s29, s11, $0xb8;
	[tilespmem:$0x10F40] =	vst v63  }
0xf7: {  	s29 =	sadd.s32 @!p0 $0x100, s8;
	s30 =	simm.s32 @!p0 $0x3E00  }
0xf8: {  	[tilespmem:s30], [sflag:$0x1] =	stream.indirect.gather @!p0 [hbm4b:s4+s11], $0x20, s29, s11, $0xb8;
	[tilespmem:$0x10F40] =	vst v63  }
0xf9: {  	s7 =	smul.u32 @!p0 $0x500, s7;
	s29 =	sadd.s32 @!p0 $0x180, s8;
	s30 =	simm.s32 @!p0 $0x4E00  }
0xfa: {  	[tilespmem:s30], [sflag:$0x1] =	stream.indirect.gather @!p0 [hbm4b:s4+s11], $0x20, s29, s11, $0xb8;
	[tilespmem:$0x10F40] =	vst v63  }
0xfb: {  	s7 =	sshra.s32 @!p0 s7, $0x2;
	s8 =	sadd.s32 @!p0 $0x200, s8;
	s29 =	simm.s32 @!p0 $0x5E00  }
0xfc: {  	[tilespmem:s29], [sflag:$0x1] =	stream.indirect.gather @!p0 [hbm4b:s4+s11], $0x20, s8, s11, $0xb8;
	[tilespmem:$0x10F40] =	vst v63  }
0xfd: {  	s8 =	sadd.s32 @!p0 $0x1400, s7;
	s11 =	simm.s32 @!p0 $0x40;
	s29 =	simm.s32 @!p0 $0xBE00  }
0xfe: {  	[tilespmem:s29], [sflag:$0x1] =	stream.indirect.gather @!p0 [hbm4b:s5+s11], $0x20, s8, s11, $0xb8;
	[tilespmem:$0x10F40] =	vst v63  }
0xff: {  	s8 =	sadd.s32 @!p0 $0x1440, s7;
	s29 =	simm.s32 @!p0 $0xC600  }
0x100: {  	[tilespmem:s29], [sflag:$0x1] =	stream.indirect.gather @!p0 [hbm4b:s5+s11], $0x20, s8, s11, $0xb8;
	[tilespmem:$0x10F40] =	vst v63  }
0x101: {  	s8 =	sadd.s32 @!p0 $0x1480, s7;
	s29 =	simm.s32 @!p0 $0xCE00  }
0x102: {  	[tilespmem:s29], [sflag:$0x1] =	stream.indirect.gather @!p0 [hbm4b:s5+s11], $0x20, s8, s11, $0xb8;
	[tilespmem:$0x10F40] =	vst v63  }
0x103: {  	s8 =	sadd.s32 @!p0 $0x14C0, s7;
	s29 =	simm.s32 @!p0 $0xD600  }
0x104: {  	[tilespmem:s29], [sflag:$0x1] =	stream.indirect.gather @!p0 [hbm4b:s5+s11], $0x20, s8, s11, $0xb8;
	[tilespmem:$0x10F40] =	vst v63  }
0x105: {  	s7 =	sadd.s32 @!p0 $0x1500, s7;
	s8 =	simm.s32 @!p0 $0xDE00  }
0x106: {  	[tilespmem:s8], [sflag:$0x1] =	stream.indirect.gather @!p0 [hbm4b:s5+s11], $0x20, s7, s11, $0xb8;
	[tilespmem:$0x10F40] =	vst v63  }
0x107: {  	_ =	swait.ge [sflag:s24], $0x1000  }
0x108: {  	[sflag:s24] =	ssyncset.done $0x0  }
0x109: {  	[sflag:s24] =	ssyncadd.s32 $0xFFFFF000  }
0x10a: {  	_ =	swait.ge [sflag:s24], $0x1000  }
0x10b: {  	[sflag:s24] =	ssyncset.done $0x0  }
0x10c: {  	[sflag:s24] =	ssyncadd.s32 $0xFFFFF000  }
0x10d: {  	_ =	swait.ge [sflag:s24], $0x1000  }
0x10e: {  	[sflag:s24] =	ssyncset.done $0x0  }
0x10f: {  	[sflag:s24] =	ssyncadd.s32 $0xFFFFF000  }
0x110: {  	_ =	swait.ge [sflag:s24], $0x1000  }
0x111: {  	[sflag:s24] =	ssyncset.done $0x0  }
0x112: {  	[sflag:s24] =	ssyncadd.s32 $0xFFFFF000  }
0x113: {  	_ =	swait.ge [sflag:s24], $0x1000  }
0x114: {  	[sflag:s24] =	ssyncset.done $0x0  }
0x115: {  	[sflag:s24] =	ssyncadd.s32 $0xFFFFF000  }
0x116: {  	_ =	swait.ge [sflag:s24], $0x800  }
0x117: {  	[sflag:s24] =	ssyncset.done $0x0  }
0x118: {  	[sflag:s24] =	ssyncadd.s32 $0xFFFFF800  }
0x119: {  	_ =	swait.ge [sflag:s24], $0x800  }
0x11a: {  	[sflag:s24] =	ssyncset.done $0x0  }
0x11b: {  	[sflag:s24] =	ssyncadd.s32 $0xFFFFF800  }
0x11c: {  	_ =	swait.ge [sflag:s24], $0x800  }
0x11d: {  	[sflag:s24] =	ssyncset.done $0x0  }
0x11e: {  	[sflag:s24] =	ssyncadd.s32 $0xFFFFF800  }
0x11f: {  	_ =	swait.ge [sflag:s24], $0x800  }
0x120: {  	[sflag:s24] =	ssyncset.done $0x0  }
0x121: {  	[sflag:s24] =	ssyncadd.s32 $0xFFFFF800  }
0x122: {  	_ =	swait.ge [sflag:s24], $0x800  }
0x123: {  	[sflag:s24] =	ssyncset.done $0x0  }
0x124: {  	s29 =	simm.s32 $0x6EA0;
	[sflag:s24] =	ssyncadd.s32 $0xFFFFF800  }
0x125: {  	v0 =	vld [tilespmem:s29+$0xFFFFFF90]  }
0x126: {  	v1 =	vld [tilespmem:s29+$0xFFFFFF60]  }
0x127: {  	v2 =	vld [tilespmem:s29+$0xFFFFFF80]  }
0x128: {  	v3 =	vld [tilespmem:s29+$0xFFFFFF70]  }
0x129: {  	v4 =	vld [tilespmem:s29+$0xFFFFFFA0]  }
0x12a: {  	v5 =	vld [tilespmem:s29+$0xFFFFFFB0]  }
0x12b: {  	v6 =	vld [tilespmem:s29+$0xFFFFFFC0]  }
0x12c: {  	v7 =	vld [tilespmem:s29+$0xFFFFFFD0]  }
0x12d: {  	v1 =	vadd.f32 v2, v1;
	v0 =	vadd.f32 v0, v3;
	v2 =	vld [tilespmem:s29+$0xFFFFFFE0]  }
0x12e: {  	v3 =	vld [tilespmem:s29+$0xFFFFFFF0]  }
0x12f: {  	v56 =	vld [tilespmem:s29+$0x0];
	v1 =	vadd.f32 v4, v1;
	v0 =	vadd.f32 v5, v0  }
0x130: {  	v57 =	vld [tilespmem:s29+$0x10]  }
0x131: {  	v58 =	vld [tilespmem:s29+$0x20];
	v1 =	vadd.f32 v6, v1;
	v0 =	vadd.f32 v7, v0  }
0x132: {  	v59 =	vld [tilespmem:s29+$0x30]  }
0x133: {  	v1 =	vadd.f32 v2, v1;
	v0 =	vadd.f32 v3, v0;
	v2 =	vld [tilespmem:s29+$0x40]  }
0x134: {  	v3 =	vld [tilespmem:s29+$0x50]  }
0x135: {  	v60 =	vld [tilespmem:s29+$0x70];
	v1 =	vadd.f32 v56, v1;
	v0 =	vadd.f32 v57, v0  }
0x136: {  	v61 =	vld [tilespmem:s29+$0x60]  }
0x137: {  	v62 =	vld [tilespmem:s29+$0x90];
	v1 =	vadd.f32 v58, v1;
	v0 =	vadd.f32 v59, v0  }
0x138: {  	s30 =	simm.s32 $0xE650;
	v63 =	vld [tilespmem:s29+$0x80]  }
0x139: {  	v1 =	vadd.f32 v2, v1;
	v0 =	vadd.f32 v3, v0;
	v2 =	vld [tilespmem:s30+$0xFFFFFFC0]  }
0x13a: {  	v3 =	vld [tilespmem:s30+$0xFFFFFFB0]  }
0x13b: {  	v1 =	vadd.f32 v61, v1;
	v0 =	vadd.f32 v60, v0;
	_ =	sdelay $0x1  }
0x13c: {  	v1 =	vadd.f32 v63, v1;
	v0 =	vadd.f32 v62, v0;
	_ =	sdelay $0x1  }
0x13d: {  	v3 =	vmul.f32 v3, v1;
	v2 =	vmul.f32 v2, v0;
	_ =	sdelay $0x1  }
0x13e: {  	v2 =	vadd.f32 v2, v3;
	_ =	sdelay $0x1  }
0x13f: {  	(xrf2) =	vadd.scan.msk.f32 $0xffff, v2;
	_ =	sdelay $0x4  }
0x140: {  	s11 =	simm.s32 $0x0  }
0x141: {  	v2 =	vmov s11;
	_ =	sdelay $0x3  }
0x142: {  	v3, _, _ =	vpop (xrf2)  }
0x143: {  	[tilespmem:v2+s23+$0x0] =	vst.idx.msk vm0, v3  }
0x144: {  	v2 =	vld [tilespmem:s30+$0xFFFFFFD0]  }
0x145: {  	v3 =	vld [tilespmem:s30+$0xFFFFFFE0];
	_ =	sdelay $0x4  }
0x146: {  	v2 =	vmul.f32 v2, v1;
	v3 =	vmul.f32 v3, v0;
	_ =	sdelay $0x1  }
0x147: {  	v2 =	vadd.f32 v3, v2;
	_ =	sdelay $0x1  }
0x148: {  	(xrf2) =	vadd.scan.msk.f32 $0xffff, v2;
	_ =	sdelay $0x4  }
0x149: {  	s31 =	simm.s32 $0x1  }
0x14a: {  	v2 =	vmov s31;
	_ =	sdelay $0x3  }
0x14b: {  	v3, _, _ =	vpop (xrf2)  }
0x14c: {  	[tilespmem:v2+s23+$0x0] =	vst.idx.msk vm0, v3  }
0x14d: {  	v2 =	vld [tilespmem:s30+$0xFFFFFFF0]  }
0x14e: {  	v3 =	vld [tilespmem:s30+$0x0];
	_ =	sdelay $0x4  }
0x14f: {  	v2 =	vmul.f32 v2, v1;
	v3 =	vmul.f32 v3, v0;
	_ =	sdelay $0x1  }
0x150: {  	v2 =	vadd.f32 v3, v2;
	_ =	sdelay $0x1  }
0x151: {  	(xrf2) =	vadd.scan.msk.f32 $0xffff, v2;
	_ =	sdelay $0x4  }
0x152: {  	s8 =	simm.s32 $0x2  }
0x153: {  	v2 =	vmov s8;
	_ =	sdelay $0x3  }
0x154: {  	v3, _, _ =	vpop (xrf2)  }
0x155: {  	[tilespmem:v2+s23+$0x0] =	vst.idx.msk vm0, v3  }
0x156: {  	v2 =	vld [tilespmem:s30+$0x20]  }
0x157: {  	v3 =	vld [tilespmem:s30+$0x10];
	_ =	sdelay $0x4  }
0x158: {  	v2 =	vmul.f32 v2, v0;
	v3 =	vmul.f32 v3, v1;
	_ =	sdelay $0x1  }
0x159: {  	v2 =	vadd.f32 v2, v3;
	_ =	sdelay $0x1  }
0x15a: {  	(xrf2) =	vadd.scan.msk.f32 $0xffff, v2;
	_ =	sdelay $0x4  }
0x15b: {  	s11 =	simm.s32 $0x3  }
0x15c: {  	v2 =	vmov s11;
	_ =	sdelay $0x3  }
0x15d: {  	v3, _, _ =	vpop (xrf2)  }
0x15e: {  	[tilespmem:v2+s23+$0x0] =	vst.idx.msk vm0, v3  }
0x15f: {  	v2 =	vld [tilespmem:s30+$0x30]  }
0x160: {  	v3 =	vld [tilespmem:s30+$0x40];
	_ =	sdelay $0x4  }
0x161: {  	v1 =	vmul.f32 v2, v1;
	v0 =	vmul.f32 v3, v0;
	_ =	sdelay $0x1  }
0x162: {  	v0 =	vadd.f32 v0, v1;
	_ =	sdelay $0x1  }
0x163: {  	(xrf2) =	vadd.scan.msk.f32 $0xffff, v0;
	_ =	sdelay $0x4  }
0x164: {  	s31 =	simm.s32 $0x4  }
0x165: {  	s11 =	simm.s32 $0x9;
	v0 =	vmov s31  }
.LBB2_5:
0x166: {  	p0 =	sne.s32 s11, $0x13F;
	s29 =	sadd.s32 $0x140, s29;
	s30 =	sadd.s32 $0xA0, s30  }
0x167: {  	s7 =	smov.u32 s11;
	s11 =	sadd.s32 $0x5, s11;
	_ =	sdelay $0x1  }
0x168: {  	v1, _, _ =	vpop (xrf2)  }
0x169: {  	[tilespmem:v0+s23+$0x0] =	vst.idx.msk vm0, v1  }
0x16a: {  	v0 =	vld [tilespmem:s29+$0xFFFFFF90]  }
0x16b: {  	v1 =	vld [tilespmem:s29+$0xFFFFFF60]  }
0x16c: {  	v2 =	vld [tilespmem:s29+$0xFFFFFF80]  }
0x16d: {  	v3 =	vld [tilespmem:s29+$0xFFFFFF70]  }
0x16e: {  	v4 =	vld [tilespmem:s29+$0xFFFFFFA0]  }
0x16f: {  	v5 =	vld [tilespmem:s29+$0xFFFFFFB0]  }
0x170: {  	v6 =	vld [tilespmem:s29+$0xFFFFFFC0]  }
0x171: {  	v1 =	vadd.f32 v2, v1;
	v2 =	vld [tilespmem:s29+$0xFFFFFFD0]  }
0x172: {  	v0 =	vadd.f32 v0, v3;
	v3 =	vld [tilespmem:s29+$0xFFFFFFE0]  }
0x173: {  	v1 =	vadd.f32 v4, v1;
	v4 =	vld [tilespmem:s29+$0xFFFFFFF0]  }
0x174: {  	v0 =	vadd.f32 v5, v0;
	v5 =	vld [tilespmem:s29+$0x0]  }
0x175: {  	v1 =	vadd.f32 v6, v1;
	v6 =	vld [tilespmem:s29+$0x10]  }
0x176: {  	v0 =	vadd.f32 v2, v0;
	v2 =	vld [tilespmem:s29+$0x20]  }
0x177: {  	v1 =	vadd.f32 v3, v1;
	v3 =	vld [tilespmem:s29+$0x30]  }
0x178: {  	v0 =	vadd.f32 v4, v0;
	v4 =	vld [tilespmem:s29+$0x40]  }
0x179: {  	v1 =	vadd.f32 v5, v1;
	v5 =	vld [tilespmem:s29+$0x50]  }
0x17a: {  	v0 =	vadd.f32 v6, v0;
	v6 =	vld [tilespmem:s29+$0x70]  }
0x17b: {  	v1 =	vadd.f32 v2, v1;
	v2 =	vld [tilespmem:s29+$0x60]  }
0x17c: {  	v0 =	vadd.f32 v3, v0;
	v3 =	vld [tilespmem:s29+$0x90]  }
0x17d: {  	v1 =	vadd.f32 v4, v1;
	v4 =	vld [tilespmem:s29+$0x80]  }
0x17e: {  	v0 =	vadd.f32 v5, v0;
	v5 =	vld [tilespmem:s30+$0xFFFFFFC0]  }
0x17f: {  	v7 =	vld [tilespmem:s30+$0xFFFFFFB0]  }
0x180: {  	v1 =	vadd.f32 v2, v1;
	v0 =	vadd.f32 v6, v0;
	_ =	sdelay $0x1  }
0x181: {  	v1 =	vadd.f32 v4, v1;
	v0 =	vadd.f32 v3, v0;
	_ =	sdelay $0x1  }
0x182: {  	v2 =	vmul.f32 v7, v1;
	v3 =	vmul.f32 v5, v0;
	_ =	sdelay $0x1  }
0x183: {  	v2 =	vadd.f32 v3, v2;
	_ =	sdelay $0x1  }
0x184: {  	(xrf2) =	vadd.scan.msk.f32 $0xffff, v2;
	_ =	sdelay $0x4  }
0x185: {  	s8 =	sadd.s32 $0xFFFFFFFC, s7  }
0x186: {  	v2 =	vmov s8;
	_ =	sdelay $0x3  }
0x187: {  	v3, _, _ =	vpop (xrf2)  }
0x188: {  	[tilespmem:v2+s23+$0x0] =	vst.idx.msk vm0, v3  }
0x189: {  	v2 =	vld [tilespmem:s30+$0xFFFFFFD0]  }
0x18a: {  	v3 =	vld [tilespmem:s30+$0xFFFFFFE0];
	_ =	sdelay $0x4  }
0x18b: {  	v2 =	vmul.f32 v2, v1;
	v3 =	vmul.f32 v3, v0;
	_ =	sdelay $0x1  }
0x18c: {  	v2 =	vadd.f32 v3, v2;
	_ =	sdelay $0x1  }
0x18d: {  	(xrf2) =	vadd.scan.msk.f32 $0xffff, v2;
	_ =	sdelay $0x4  }
0x18e: {  	s8 =	sadd.s32 $0xFFFFFFFD, s7  }
0x18f: {  	v2 =	vmov s8;
	_ =	sdelay $0x3  }
0x190: {  	v3, _, _ =	vpop (xrf2)  }
0x191: {  	[tilespmem:v2+s23+$0x0] =	vst.idx.msk vm0, v3  }
0x192: {  	v2 =	vld [tilespmem:s30+$0xFFFFFFF0]  }
0x193: {  	v3 =	vld [tilespmem:s30+$0x0];
	_ =	sdelay $0x3  }
0x194: {  	v2 =	vmul.f32 v2, v1  }
0x195: {  	v3 =	vmul.f32 v3, v0;
	_ =	sdelay $0x1  }
0x196: {  	v2 =	vadd.f32 v3, v2;
	_ =	sdelay $0x1  }
0x197: {  	(xrf2) =	vadd.scan.msk.f32 $0xffff, v2;
	_ =	sdelay $0x4  }
0x198: {  	s8 =	sadd.s32 $0xFFFFFFFE, s7  }
0x199: {  	v2 =	vmov s8;
	_ =	sdelay $0x3  }
0x19a: {  	v3, _, _ =	vpop (xrf2)  }
0x19b: {  	[tilespmem:v2+s23+$0x0] =	vst.idx.msk vm0, v3  }
0x19c: {  	v2 =	vld [tilespmem:s30+$0x20]  }
0x19d: {  	v3 =	vld [tilespmem:s30+$0x10];
	_ =	sdelay $0x3  }
0x19e: {  	v2 =	vmul.f32 v2, v0  }
0x19f: {  	v3 =	vmul.f32 v3, v1;
	_ =	sdelay $0x1  }
0x1a0: {  	v2 =	vadd.f32 v2, v3;
	_ =	sdelay $0x1  }
0x1a1: {  	(xrf2) =	vadd.scan.msk.f32 $0xffff, v2;
	_ =	sdelay $0x4  }
0x1a2: {  	s8 =	sadd.s32 $0xFFFFFFFF, s7  }
0x1a3: {  	v2 =	vmov s8;
	_ =	sdelay $0x3  }
0x1a4: {  	v3, _, _ =	vpop (xrf2)  }
0x1a5: {  	[tilespmem:v2+s23+$0x0] =	vst.idx.msk vm0, v3  }
0x1a6: {  	v2 =	vld [tilespmem:s30+$0x30]  }
0x1a7: {  	v3 =	vld [tilespmem:s30+$0x40];
	_ =	sdelay $0x3  }
0x1a8: {  	v1 =	vmul.f32 v2, v1  }
0x1a9: {  	v0 =	vmul.f32 v3, v0;
	_ =	sdelay $0x1  }
0x1aa: {  	v0 =	vadd.f32 v0, v1;
	_ =	sdelay $0x1  }
0x1ab: {  	(xrf2) =	vadd.scan.msk.f32 $0xffff, v0;
	_ =	sdelay $0x1  }
.Ltmp1:
0x1ac: {  	(pc) =	sbr.rel @p0 .LBB2_5-.Ltmp1, $2  }
0x1ad: {  	_ =	sdelay $0x2  }
0x1ae: {  	v0 =	vmov s7  }
0x1af: {  	_ =	sdelay $0x2  }
0x1b0: {  	s7 =	sadd.s32 s3, s28;
	s26 =	sadd.s32 $0x1, s26  }
0x1b1: {  	s7 =	sshrl.u32 s7, $0x3;
	p0 =	sne.s32 s26, $0x4;
	v1, _, _ =	vpop (xrf2)  }
.Ltmp2:
0x1b2: {  	s7 =	sadd.s32 s6, s7;
	[tilespmem:v0+s23+$0x0] =	vst.idx.msk vm0, v1;
	(pc) =	sbr.rel @p0 .LBB2_2-.Ltmp2, $4  }
0x1b3: {  	[hbm4b:s7+s2] =	stream.linear.scatter [tilespmem:s23], [sflag:$0x3], $0x140, $0x38;
	[tilespmem:$0x10F40] =	vst v63  }
0x1b4: {  	_ =	swait.ge [sflag:s10], $0x140  }
0x1b5: {  	[sflag:s10] =	ssyncset.done $0x0  }
0x1b6: {  	[sflag:s10] =	ssyncadd.s32 $0xFFFFFEC0  }
0x1b7: {  	s25 =	sadd.s32 $0x1, s25  }
0x1b8: {  	p0 =	sne.s32 s25, s9  }
.Ltmp3:
0x1b9: {  	_ = 	snop;
	(pc) =	sbr.rel @p0 .LBB2_1-.Ltmp3, $1  }
0x1ba: {  	_ =	sdelay $0x3  }
0x1bb: {  	_ =	sfence.sel $0x180000  }
0x1bc: {  	[bflag:$0x0] =	sbarrier.arrive $0xFFFF  }
0x1bd: {  	_ =	strace $0x90000047  }
0x1be: {  	s0 =	stileid.u32;
	[bflag:$0x2] =	sbarrier.arrive $0xFFFF  }
0x1bf: {  	p0 =	sne.s32 s0, $0x0;
	s0 =	rddreg [dreg:$0x2]  }
0x1c0: {  	s0 =	sadd.s32 @!p0 $0x100000, s0  }
0x1c1: {  	[sflag:s0] =	ssyncadd.tile.s32 @!p0 $0x1;
	_ =	shalt  }
.Lfunc_end2:
_tile_overlayer_lowered:
.L_overlay_start_2:
0x1c2: {  	(tag) =	ssettag $0x2  }
0x1c3: {  	s0 =	rddreg [dreg:$0x0];
	s2 =	stileid.u32  }
0x1c4: {  	s1 =	rddreg [dreg:$0x1];
	p0 =	sne.s32 s2, $0x0  }
0x1c5: {  	s3 =	rddreg [dreg:$0x2];
	[bflag:$0x3] =	sbarrier.arrive $0xFFFF;
	s2 =	simm.s32 @!p0 $0x1C03  }
0x1c6: {  	[timem:s3], [sflag:s2] =	dma.local @!p0 [hbm:s0], s1  }
0x1c7: {  	s0 =	simm.s32 @!p0 $0x3  }
0x1c8: {  	_ =	swait.ge @!p0 [sflag:s0], s1  }
0x1c9: {  	s1 =	ssub.s32 @!p0 $0x0, s1;
	[sflag:s0] =	ssyncset.done @!p0 $0x0  }
0x1ca: {  	[sflag:s0] =	ssyncadd.s32 @!p0 s1  }
0x1cb: {  	[bflag:$0x3] =	sbarrier.arrive $0xFFFF  }
0x1cc: {  	_ =	shalt  }

</sc_bundles>
